<compile_context>
chip_gen: v7x
topology: tpu7x:2x2x1
jax: 0.10.2.dev20260603
libtpu: 0.0.44.dev20260713+nightly
codegen_flags: <defaults>
</compile_context>

<pallas_src>
import functools

import jax
import jax.numpy as jnp
from jax import lax
from jax.experimental import pallas as pl
from jax.experimental.pallas import tpu as pltpu
from jax.experimental.pallas import tpu_sc as plsc

L = 16


@functools.lru_cache(maxsize=None)
def _make_pair_gather(B, V2, D):
  info = plsc.get_sparse_core_info()
  NC = info.num_cores
  NW = NC * info.num_subcores
  CH = 128
  DP = 2 * D
  BW = B // NW
  n_ch = BW // CH
  assert B % (CH * NW) == 0 and D % L == 0

  mesh = plsc.VectorSubcoreMesh(core_axis_name="c", subcore_axis_name="s")

  @functools.partial(
      pl.kernel,
      mesh=mesh,
      out_type=jax.ShapeDtypeStruct((B * D,), jnp.float32),
      scratch_types=[
          pltpu.VMEM((BW,), jnp.int32),
          pltpu.VMEM((BW,), jnp.int32),
          pltpu.VMEM((BW, DP), jnp.float32),
          pltpu.VMEM((BW * D,), jnp.float32),
          pltpu.SemaphoreType.DMA,
      ],
  )
  def k(idx_hbm, t2_hbm, out_hbm, idx_raw, rowid, rows_v, out_v, sem):
    wid = lax.axis_index("s") * NC + lax.axis_index("c")
    base = wid * BW
    pltpu.sync_copy(idx_hbm.at[pl.ds(base, BW)], idx_raw)

    for i in range(BW // L):
      rowid[pl.ds(i * L, L)] = idx_raw[pl.ds(i * L, L)] >> 1

    copies = [
        pltpu.async_copy(
            t2_hbm.at[rowid.at[pl.ds(kk * CH, CH)]],
            rows_v.at[pl.ds(kk * CH, CH), :], sem)
        for kk in range(n_ch)
    ]
    for c in copies:
      c.wait()

    def ext_body(i, _):
      v16 = idx_raw[pl.ds(i * L, L)] & 1
      for l in range(L):
        r = i * L + l
        off = v16[l] * D
        for s in range(D // L):
          w = rows_v[r, pl.ds(off + s * L, L)]
          out_v[pl.ds(r * D + s * L, L)] = w
      return _

    lax.fori_loop(0, BW // L, ext_body, jnp.int32(0))
    pltpu.sync_copy(out_v, out_hbm.at[pl.ds(base * D, BW * D)])

  return k


def kernel(num_group, table):
  B, = num_group.shape
  V, D = table.shape
  t2 = table.reshape(V // 2, 2 * D)
  out_flat = _make_pair_gather(B, V // 2, D)(num_group.astype(jnp.int32), t2)
  return out_flat.reshape(B, D)

# --- scband reference (transcript-rebuilt; emitter-appended) ---
"""Pipeline reference for scband-group-embedding-layer-86131274154491 (READ-ONLY COPY).

The authoritative reference and input builder live on the scoring server;
editing this copy changes nothing except your own understanding.
"""

import jax, jax.numpy as jnp
import numpy as np

NUM_GROUPS = 1000000
EMBED_DIM = 64
BATCH = 16384

def setup_inputs(seed: int = 0) -> dict:
    key = jax.random.key(seed)
    k_idx, k_tab = jax.random.split(key)
    num_group = jax.random.randint(k_idx, (BATCH,), 0, NUM_GROUPS, dtype=jnp.int64 if jax.config.jax_enable_x64 else jnp.int32)
    # nn.Embedding default init: N(0, 1)
    table = jax.random.normal(k_tab, (NUM_GROUPS, EMBED_DIM), dtype=jnp.float32)
    return {"num_group": num_group, "table": table}

def reference(num_group, table):
    # GroupEmbeddingLayer.forward: embedding lookup
    group_embeds = jnp.take(table, num_group, axis=0)
    return group_embeds

if __name__ == "__main__":
    import jax
    _d = setup_inputs()
    print(jax.jit(kernel)(*tuple(_d.values())))

</pallas_src>

<mosaic_0001>
#map = affine_map<(d0, d1) -> (0)>
#map1 = affine_map<(d0, d1) -> (0, 0)>
module attributes {stable_mosaic.version = 14 : i64} {
  func.func @k(%arg0: i32, %arg1: i32, %arg2: memref<16384xi32, #tpu.memory_space<hbm>>, %arg3: memref<500000x128xf32, #tpu.memory_space<hbm>>, %arg4: memref<1048576xf32, #tpu.memory_space<hbm>>, %arg5: memref<512xi32, #tpu.memory_space<vmem>>, %arg6: memref<512xi32, #tpu.memory_space<vmem>>, %arg7: memref<512x128xf32, #tpu.memory_space<vmem>>, %arg8: memref<32768xf32, #tpu.memory_space<vmem>>, %arg9: memref<!tpu.dma_semaphore, #tpu.memory_space<semaphore_mem>>) attributes {dimension_semantics = [#tpu.dimension_semantics<core_parallel>, #tpu.dimension_semantics<subcore_parallel>], iteration_bounds = array<i64: 2, 16>, scalar_prefetch = 0 : i64, scratch_operands = 5 : i64, tpu.core_type = #tpu.core_type<sc_vector_subcore>, window_params = [{transform_indices = #map}, {transform_indices = #map1}, {transform_indices = #map}]} {
    %mul3A = arith.constant 2 : i32
    %mul3A_0 = arith.muli %arg1, %mul3A : i32
    %add3A = arith.addi %mul3A_0, %arg0 : i32
    %mul3A_1 = arith.constant 512 : i32
    %mul3A_2 = arith.muli %add3A, %mul3A_1 : i32
    "tpu.region"() ({
      %run_scoped3A = tpu.sem_alloc : memref<!tpu.dma_semaphore, #tpu.memory_space<semaphore_mem>>
      %dma_start3A_389 = tpu.memref_slice %arg2[%mul3A_2] : memref<16384xi32, #tpu.memory_space<hbm>> -> memref<512xi32, #tpu.memory_space<hbm>>
      %dma_start3A_390 = tpu.memref_slice %arg2[%mul3A_2] : memref<16384xi32, #tpu.memory_space<hbm>> -> memref<512xi32, #tpu.memory_space<hbm>>
      tpu.enqueue_dma source(%dma_start3A_390 : memref<512xi32, #tpu.memory_space<hbm>>) target(%arg5 : memref<512xi32, #tpu.memory_space<vmem>>) target_semaphore(%run_scoped3A : memref<!tpu.dma_semaphore, #tpu.memory_space<semaphore_mem>>)
      %dma_wait3A_391 = tpu.memref_slice %arg2[%mul3A_2] : memref<16384xi32, #tpu.memory_space<hbm>> -> memref<512xi32, #tpu.memory_space<hbm>>
      %dma_wait3A_392 = tpu.memref_slice %arg2[%mul3A_2] : memref<16384xi32, #tpu.memory_space<hbm>> -> memref<512xi32, #tpu.memory_space<hbm>>
      tpu.wait_dma2 semaphore(%run_scoped3A : memref<!tpu.dma_semaphore, #tpu.memory_space<semaphore_mem>>) src(%dma_wait3A_392 : memref<512xi32, #tpu.memory_space<hbm>>) dst(%arg5 : memref<512xi32, #tpu.memory_space<vmem>>)
      tpu.yield
    }) : () -> ()
    %get3A = arith.constant 0 : index
    %get3A_3 = tpu.vector_load %arg5[%get3A] {strides = array<i32>} : memref<512xi32, #tpu.memory_space<vmem>>, vector<16xi32>,
    %get3A_4 = vector.shape_cast %get3A_3 : vector<16xi32> to vector<16xi32>
    %shift_right_arithmetic3A = arith.constant 1 : i32
    %shift_right_arithmetic3A_5 = vector.broadcast %shift_right_arithmetic3A : i32 to vector<16xi32>
    %shift_right_arithmetic3A_6 = arith.shrsi %get3A_4, %shift_right_arithmetic3A_5 : vector<16xi32>
    %swap3A = arith.constant 0 : index
    %swap3A_7 = tpu.vector_load %arg6[%swap3A] {strides = array<i32>} : memref<512xi32, #tpu.memory_space<vmem>>, vector<16xi32>,
    %swap3A_8 = vector.shape_cast %swap3A_7 : vector<16xi32> to vector<16xi32>
    %swap3A_9 = vector.shape_cast %shift_right_arithmetic3A_6 : vector<16xi32> to vector<16xi32>
    tpu.vector_store %arg6[%swap3A], %swap3A_9 {strides = array<i32>} : memref<512xi32, #tpu.memory_space<vmem>>, vector<16xi32>,
    %get3A_10 = arith.constant 16 : index
    %get3A_11 = tpu.vector_load %arg5[%get3A_10] {strides = array<i32>} : memref<512xi32, #tpu.memory_space<vmem>>, vector<16xi32>,
    %get3A_12 = vector.shape_cast %get3A_11 : vector<16xi32> to vector<16xi32>
    %shift_right_arithmetic3A_13 = arith.constant 1 : i32
    %shift_right_arithmetic3A_14 = vector.broadcast %shift_right_arithmetic3A_13 : i32 to vector<16xi32>
    %shift_right_arithmetic3A_15 = arith.shrsi %get3A_12, %shift_right_arithmetic3A_14 : vector<16xi32>
    %swap3A_16 = arith.constant 16 : index
    %swap3A_17 = tpu.vector_load %arg6[%swap3A_16] {strides = array<i32>} : memref<512xi32, #tpu.memory_space<vmem>>, vector<16xi32>,
    %swap3A_18 = vector.shape_cast %swap3A_17 : vector<16xi32> to vector<16xi32>
    %swap3A_19 = vector.shape_cast %shift_right_arithmetic3A_15 : vector<16xi32> to vector<16xi32>
    tpu.vector_store %arg6[%swap3A_16], %swap3A_19 {strides = array<i32>} : memref<512xi32, #tpu.memory_space<vmem>>, vector<16xi32>,
    %get3A_20 = arith.constant 32 : index
    %get3A_21 = tpu.vector_load %arg5[%get3A_20] {strides = array<i32>} : memref<512xi32, #tpu.memory_space<vmem>>, vector<16xi32>,
    %get3A_22 = vector.shape_cast %get3A_21 : vector<16xi32> to vector<16xi32>
    %shift_right_arithmetic3A_23 = arith.constant 1 : i32
    %shift_right_arithmetic3A_24 = vector.broadcast %shift_right_arithmetic3A_23 : i32 to vector<16xi32>
    %shift_right_arithmetic3A_25 = arith.shrsi %get3A_22, %shift_right_arithmetic3A_24 : vector<16xi32>
    %swap3A_26 = arith.constant 32 : index
    %swap3A_27 = tpu.vector_load %arg6[%swap3A_26] {strides = array<i32>} : memref<512xi32, #tpu.memory_space<vmem>>, vector<16xi32>,
    %swap3A_28 = vector.shape_cast %swap3A_27 : vector<16xi32> to vector<16xi32>
    %swap3A_29 = vector.shape_cast %shift_right_arithmetic3A_25 : vector<16xi32> to vector<16xi32>
    tpu.vector_store %arg6[%swap3A_26], %swap3A_29 {strides = array<i32>} : memref<512xi32, #tpu.memory_space<vmem>>, vector<16xi32>,
    %get3A_30 = arith.constant 48 : index
    %get3A_31 = tpu.vector_load %arg5[%get3A_30] {strides = array<i32>} : memref<512xi32, #tpu.memory_space<vmem>>, vector<16xi32>,
    %get3A_32 = vector.shape_cast %get3A_31 : vector<16xi32> to vector<16xi32>
    %shift_right_arithmetic3A_33 = arith.constant 1 : i32
    %shift_right_arithmetic3A_34 = vector.broadcast %shift_right_arithmetic3A_33 : i32 to vector<16xi32>
    %shift_right_arithmetic3A_35 = arith.shrsi %get3A_32, %shift_right_arithmetic3A_34 : vector<16xi32>
    %swap3A_36 = arith.constant 48 : index
    %swap3A_37 = tpu.vector_load %arg6[%swap3A_36] {strides = array<i32>} : memref<512xi32, #tpu.memory_space<vmem>>, vector<16xi32>,
    %swap3A_38 = vector.shape_cast %swap3A_37 : vector<16xi32> to vector<16xi32>
    %swap3A_39 = vector.shape_cast %shift_right_arithmetic3A_35 : vector<16xi32> to vector<16xi32>
    tpu.vector_store %arg6[%swap3A_36], %swap3A_39 {strides = array<i32>} : memref<512xi32, #tpu.memory_space<vmem>>, vector<16xi32>,
    %get3A_40 = arith.constant 64 : index
    %get3A_41 = tpu.vector_load %arg5[%get3A_40] {strides = array<i32>} : memref<512xi32, #tpu.memory_space<vmem>>, vector<16xi32>,
    %get3A_42 = vector.shape_cast %get3A_41 : vector<16xi32> to vector<16xi32>
    %shift_right_arithmetic3A_43 = arith.constant 1 : i32
    %shift_right_arithmetic3A_44 = vector.broadcast %shift_right_arithmetic3A_43 : i32 to vector<16xi32>
    %shift_right_arithmetic3A_45 = arith.shrsi %get3A_42, %shift_right_arithmetic3A_44 : vector<16xi32>
    %swap3A_46 = arith.constant 64 : index
    %swap3A_47 = tpu.vector_load %arg6[%swap3A_46] {strides = array<i32>} : memref<512xi32, #tpu.memory_space<vmem>>, vector<16xi32>,
    %swap3A_48 = vector.shape_cast %swap3A_47 : vector<16xi32> to vector<16xi32>
    %swap3A_49 = vector.shape_cast %shift_right_arithmetic3A_45 : vector<16xi32> to vector<16xi32>
    tpu.vector_store %arg6[%swap3A_46], %swap3A_49 {strides = array<i32>} : memref<512xi32, #tpu.memory_space<vmem>>, vector<16xi32>,
    %get3A_50 = arith.constant 80 : index
    %get3A_51 = tpu.vector_load %arg5[%get3A_50] {strides = array<i32>} : memref<512xi32, #tpu.memory_space<vmem>>, vector<16xi32>,
    %get3A_52 = vector.shape_cast %get3A_51 : vector<16xi32> to vector<16xi32>
    %shift_right_arithmetic3A_53 = arith.constant 1 : i32
    %shift_right_arithmetic3A_54 = vector.broadcast %shift_right_arithmetic3A_53 : i32 to vector<16xi32>
    %shift_right_arithmetic3A_55 = arith.shrsi %get3A_52, %shift_right_arithmetic3A_54 : vector<16xi32>
    %swap3A_56 = arith.constant 80 : index
    %swap3A_57 = tpu.vector_load %arg6[%swap3A_56] {strides = array<i32>} : memref<512xi32, #tpu.memory_space<vmem>>, vector<16xi32>,
    %swap3A_58 = vector.shape_cast %swap3A_57 : vector<16xi32> to vector<16xi32>
    %swap3A_59 = vector.shape_cast %shift_right_arithmetic3A_55 : vector<16xi32> to vector<16xi32>
    tpu.vector_store %arg6[%swap3A_56], %swap3A_59 {strides = array<i32>} : memref<512xi32, #tpu.memory_space<vmem>>, vector<16xi32>,
    %get3A_60 = arith.constant 96 : index
    %get3A_61 = tpu.vector_load %arg5[%get3A_60] {strides = array<i32>} : memref<512xi32, #tpu.memory_space<vmem>>, vector<16xi32>,
    %get3A_62 = vector.shape_cast %get3A_61 : vector<16xi32> to vector<16xi32>
    %shift_right_arithmetic3A_63 = arith.constant 1 : i32
    %shift_right_arithmetic3A_64 = vector.broadcast %shift_right_arithmetic3A_63 : i32 to vector<16xi32>
    %shift_right_arithmetic3A_65 = arith.shrsi %get3A_62, %shift_right_arithmetic3A_64 : vector<16xi32>
    %swap3A_66 = arith.constant 96 : index
    %swap3A_67 = tpu.vector_load %arg6[%swap3A_66] {strides = array<i32>} : memref<512xi32, #tpu.memory_space<vmem>>, vector<16xi32>,
    %swap3A_68 = vector.shape_cast %swap3A_67 : vector<16xi32> to vector<16xi32>
    %swap3A_69 = vector.shape_cast %shift_right_arithmetic3A_65 : vector<16xi32> to vector<16xi32>
    tpu.vector_store %arg6[%swap3A_66], %swap3A_69 {strides = array<i32>} : memref<512xi32, #tpu.memory_space<vmem>>, vector<16xi32>,
    %get3A_70 = arith.constant 112 : index
    %get3A_71 = tpu.vector_load %arg5[%get3A_70] {strides = array<i32>} : memref<512xi32, #tpu.memory_space<vmem>>, vector<16xi32>,
    %get3A_72 = vector.shape_cast %get3A_71 : vector<16xi32> to vector<16xi32>
    %shift_right_arithmetic3A_73 = arith.constant 1 : i32
    %shift_right_arithmetic3A_74 = vector.broadcast %shift_right_arithmetic3A_73 : i32 to vector<16xi32>
    %shift_right_arithmetic3A_75 = arith.shrsi %get3A_72, %shift_right_arithmetic3A_74 : vector<16xi32>
    %swap3A_76 = arith.constant 112 : index
    %swap3A_77 = tpu.vector_load %arg6[%swap3A_76] {strides = array<i32>} : memref<512xi32, #tpu.memory_space<vmem>>, vector<16xi32>,
    %swap3A_78 = vector.shape_cast %swap3A_77 : vector<16xi32> to vector<16xi32>
    %swap3A_79 = vector.shape_cast %shift_right_arithmetic3A_75 : vector<16xi32> to vector<16xi32>
    tpu.vector_store %arg6[%swap3A_76], %swap3A_79 {strides = array<i32>} : memref<512xi32, #tpu.memory_space<vmem>>, vector<16xi32>,
    %get3A_80 = arith.constant 128 : index
    %get3A_81 = tpu.vector_load %arg5[%get3A_80] {strides = array<i32>} : memref<512xi32, #tpu.memory_space<vmem>>, vector<16xi32>,
    %get3A_82 = vector.shape_cast %get3A_81 : vector<16xi32> to vector<16xi32>
    %shift_right_arithmetic3A_83 = arith.constant 1 : i32
    %shift_right_arithmetic3A_84 = vector.broadcast %shift_right_arithmetic3A_83 : i32 to vector<16xi32>
    %shift_right_arithmetic3A_85 = arith.shrsi %get3A_82, %shift_right_arithmetic3A_84 : vector<16xi32>
    %swap3A_86 = arith.constant 128 : index
    %swap3A_87 = tpu.vector_load %arg6[%swap3A_86] {strides = array<i32>} : memref<512xi32, #tpu.memory_space<vmem>>, vector<16xi32>,
    %swap3A_88 = vector.shape_cast %swap3A_87 : vector<16xi32> to vector<16xi32>
    %swap3A_89 = vector.shape_cast %shift_right_arithmetic3A_85 : vector<16xi32> to vector<16xi32>
    tpu.vector_store %arg6[%swap3A_86], %swap3A_89 {strides = array<i32>} : memref<512xi32, #tpu.memory_space<vmem>>, vector<16xi32>,
    %get3A_90 = arith.constant 144 : index
    %get3A_91 = tpu.vector_load %arg5[%get3A_90] {strides = array<i32>} : memref<512xi32, #tpu.memory_space<vmem>>, vector<16xi32>,
    %get3A_92 = vector.shape_cast %get3A_91 : vector<16xi32> to vector<16xi32>
    %shift_right_arithmetic3A_93 = arith.constant 1 : i32
    %shift_right_arithmetic3A_94 = vector.broadcast %shift_right_arithmetic3A_93 : i32 to vector<16xi32>
    %shift_right_arithmetic3A_95 = arith.shrsi %get3A_92, %shift_right_arithmetic3A_94 : vector<16xi32>
    %swap3A_96 = arith.constant 144 : index
    %swap3A_97 = tpu.vector_load %arg6[%swap3A_96] {strides = array<i32>} : memref<512xi32, #tpu.memory_space<vmem>>, vector<16xi32>,
    %swap3A_98 = vector.shape_cast %swap3A_97 : vector<16xi32> to vector<16xi32>
    %swap3A_99 = vector.shape_cast %shift_right_arithmetic3A_95 : vector<16xi32> to vector<16xi32>
    tpu.vector_store %arg6[%swap3A_96], %swap3A_99 {strides = array<i32>} : memref<512xi32, #tpu.memory_space<vmem>>, vector<16xi32>,
    %get3A_100 = arith.constant 160 : index
    %get3A_101 = tpu.vector_load %arg5[%get3A_100] {strides = array<i32>} : memref<512xi32, #tpu.memory_space<vmem>>, vector<16xi32>,
    %get3A_102 = vector.shape_cast %get3A_101 : vector<16xi32> to vector<16xi32>
    %shift_right_arithmetic3A_103 = arith.constant 1 : i32
    %shift_right_arithmetic3A_104 = vector.broadcast %shift_right_arithmetic3A_103 : i32 to vector<16xi32>
    %shift_right_arithmetic3A_105 = arith.shrsi %get3A_102, %shift_right_arithmetic3A_104 : vector<16xi32>
    %swap3A_106 = arith.constant 160 : index
    %swap3A_107 = tpu.vector_load %arg6[%swap3A_106] {strides = array<i32>} : memref<512xi32, #tpu.memory_space<vmem>>, vector<16xi32>,
    %swap3A_108 = vector.shape_cast %swap3A_107 : vector<16xi32> to vector<16xi32>
    %swap3A_109 = vector.shape_cast %shift_right_arithmetic3A_105 : vector<16xi32> to vector<16xi32>
    tpu.vector_store %arg6[%swap3A_106], %swap3A_109 {strides = array<i32>} : memref<512xi32, #tpu.memory_space<vmem>>, vector<16xi32>,
    %get3A_110 = arith.constant 176 : index
    %get3A_111 = tpu.vector_load %arg5[%get3A_110] {strides = array<i32>} : memref<512xi32, #tpu.memory_space<vmem>>, vector<16xi32>,
    %get3A_112 = vector.shape_cast %get3A_111 : vector<16xi32> to vector<16xi32>
    %shift_right_arithmetic3A_113 = arith.constant 1 : i32
    %shift_right_arithmetic3A_114 = vector.broadcast %shift_right_arithmetic3A_113 : i32 to vector<16xi32>
    %shift_right_arithmetic3A_115 = arith.shrsi %get3A_112, %shift_right_arithmetic3A_114 : vector<16xi32>
    %swap3A_116 = arith.constant 176 : index
    %swap3A_117 = tpu.vector_load %arg6[%swap3A_116] {strides = array<i32>} : memref<512xi32, #tpu.memory_space<vmem>>, vector<16xi32>,
    %swap3A_118 = vector.shape_cast %swap3A_117 : vector<16xi32> to vector<16xi32>
    %swap3A_119 = vector.shape_cast %shift_right_arithmetic3A_115 : vector<16xi32> to vector<16xi32>
    tpu.vector_store %arg6[%swap3A_116], %swap3A_119 {strides = array<i32>} : memref<512xi32, #tpu.memory_space<vmem>>, vector<16xi32>,
    %get3A_120 = arith.constant 192 : index
    %get3A_121 = tpu.vector_load %arg5[%get3A_120] {strides = array<i32>} : memref<512xi32, #tpu.memory_space<vmem>>, vector<16xi32>,
    %get3A_122 = vector.shape_cast %get3A_121 : vector<16xi32> to vector<16xi32>
    %shift_right_arithmetic3A_123 = arith.constant 1 : i32
    %shift_right_arithmetic3A_124 = vector.broadcast %shift_right_arithmetic3A_123 : i32 to vector<16xi32>
    %shift_right_arithmetic3A_125 = arith.shrsi %get3A_122, %shift_right_arithmetic3A_124 : vector<16xi32>
    %swap3A_126 = arith.constant 192 : index
    %swap3A_127 = tpu.vector_load %arg6[%swap3A_126] {strides = array<i32>} : memref<512xi32, #tpu.memory_space<vmem>>, vector<16xi32>,
    %swap3A_128 = vector.shape_cast %swap3A_127 : vector<16xi32> to vector<16xi32>
    %swap3A_129 = vector.shape_cast %shift_right_arithmetic3A_125 : vector<16xi32> to vector<16xi32>
    tpu.vector_store %arg6[%swap3A_126], %swap3A_129 {strides = array<i32>} : memref<512xi32, #tpu.memory_space<vmem>>, vector<16xi32>,
    %get3A_130 = arith.constant 208 : index
    %get3A_131 = tpu.vector_load %arg5[%get3A_130] {strides = array<i32>} : memref<512xi32, #tpu.memory_space<vmem>>, vector<16xi32>,
    %get3A_132 = vector.shape_cast %get3A_131 : vector<16xi32> to vector<16xi32>
    %shift_right_arithmetic3A_133 = arith.constant 1 : i32
    %shift_right_arithmetic3A_134 = vector.broadcast %shift_right_arithmetic3A_133 : i32 to vector<16xi32>
    %shift_right_arithmetic3A_135 = arith.shrsi %get3A_132, %shift_right_arithmetic3A_134 : vector<16xi32>
    %swap3A_136 = arith.constant 208 : index
    %swap3A_137 = tpu.vector_load %arg6[%swap3A_136] {strides = array<i32>} : memref<512xi32, #tpu.memory_space<vmem>>, vector<16xi32>,
    %swap3A_138 = vector.shape_cast %swap3A_137 : vector<16xi32> to vector<16xi32>
    %swap3A_139 = vector.shape_cast %shift_right_arithmetic3A_135 : vector<16xi32> to vector<16xi32>
    tpu.vector_store %arg6[%swap3A_136], %swap3A_139 {strides = array<i32>} : memref<512xi32, #tpu.memory_space<vmem>>, vector<16xi32>,
    %get3A_140 = arith.constant 224 : index
    %get3A_141 = tpu.vector_load %arg5[%get3A_140] {strides = array<i32>} : memref<512xi32, #tpu.memory_space<vmem>>, vector<16xi32>,
    %get3A_142 = vector.shape_cast %get3A_141 : vector<16xi32> to vector<16xi32>
    %shift_right_arithmetic3A_143 = arith.constant 1 : i32
    %shift_right_arithmetic3A_144 = vector.broadcast %shift_right_arithmetic3A_143 : i32 to vector<16xi32>
    %shift_right_arithmetic3A_145 = arith.shrsi %get3A_142, %shift_right_arithmetic3A_144 : vector<16xi32>
    %swap3A_146 = arith.constant 224 : index
    %swap3A_147 = tpu.vector_load %arg6[%swap3A_146] {strides = array<i32>} : memref<512xi32, #tpu.memory_space<vmem>>, vector<16xi32>,
    %swap3A_148 = vector.shape_cast %swap3A_147 : vector<16xi32> to vector<16xi32>
    %swap3A_149 = vector.shape_cast %shift_right_arithmetic3A_145 : vector<16xi32> to vector<16xi32>
    tpu.vector_store %arg6[%swap3A_146], %swap3A_149 {strides = array<i32>} : memref<512xi32, #tpu.memory_space<vmem>>, vector<16xi32>,
    %get3A_150 = arith.constant 240 : index
    %get3A_151 = tpu.vector_load %arg5[%get3A_150] {strides = array<i32>} : memref<512xi32, #tpu.memory_space<vmem>>, vector<16xi32>,
    %get3A_152 = vector.shape_cast %get3A_151 : vector<16xi32> to vector<16xi32>
    %shift_right_arithmetic3A_153 = arith.constant 1 : i32
    %shift_right_arithmetic3A_154 = vector.broadcast %shift_right_arithmetic3A_153 : i32 to vector<16xi32>
    %shift_right_arithmetic3A_155 = arith.shrsi %get3A_152, %shift_right_arithmetic3A_154 : vector<16xi32>
    %swap3A_156 = arith.constant 240 : index
    %swap3A_157 = tpu.vector_load %arg6[%swap3A_156] {strides = array<i32>} : memref<512xi32, #tpu.memory_space<vmem>>, vector<16xi32>,
    %swap3A_158 = vector.shape_cast %swap3A_157 : vector<16xi32> to vector<16xi32>
    %swap3A_159 = vector.shape_cast %shift_right_arithmetic3A_155 : vector<16xi32> to vector<16xi32>
    tpu.vector_store %arg6[%swap3A_156], %swap3A_159 {strides = array<i32>} : memref<512xi32, #tpu.memory_space<vmem>>, vector<16xi32>,
    %get3A_160 = arith.constant 256 : index
    %get3A_161 = tpu.vector_load %arg5[%get3A_160] {strides = array<i32>} : memref<512xi32, #tpu.memory_space<vmem>>, vector<16xi32>,
    %get3A_162 = vector.shape_cast %get3A_161 : vector<16xi32> to vector<16xi32>
    %shift_right_arithmetic3A_163 = arith.constant 1 : i32
    %shift_right_arithmetic3A_164 = vector.broadcast %shift_right_arithmetic3A_163 : i32 to vector<16xi32>
    %shift_right_arithmetic3A_165 = arith.shrsi %get3A_162, %shift_right_arithmetic3A_164 : vector<16xi32>
    %swap3A_166 = arith.constant 256 : index
    %swap3A_167 = tpu.vector_load %arg6[%swap3A_166] {strides = array<i32>} : memref<512xi32, #tpu.memory_space<vmem>>, vector<16xi32>,
    %swap3A_168 = vector.shape_cast %swap3A_167 : vector<16xi32> to vector<16xi32>
    %swap3A_169 = vector.shape_cast %shift_right_arithmetic3A_165 : vector<16xi32> to vector<16xi32>
    tpu.vector_store %arg6[%swap3A_166], %swap3A_169 {strides = array<i32>} : memref<512xi32, #tpu.memory_space<vmem>>, vector<16xi32>,
    %get3A_170 = arith.constant 272 : index
    %get3A_171 = tpu.vector_load %arg5[%get3A_170] {strides = array<i32>} : memref<512xi32, #tpu.memory_space<vmem>>, vector<16xi32>,
    %get3A_172 = vector.shape_cast %get3A_171 : vector<16xi32> to vector<16xi32>
    %shift_right_arithmetic3A_173 = arith.constant 1 : i32
    %shift_right_arithmetic3A_174 = vector.broadcast %shift_right_arithmetic3A_173 : i32 to vector<16xi32>
    %shift_right_arithmetic3A_175 = arith.shrsi %get3A_172, %shift_right_arithmetic3A_174 : vector<16xi32>
    %swap3A_176 = arith.constant 272 : index
    %swap3A_177 = tpu.vector_load %arg6[%swap3A_176] {strides = array<i32>} : memref<512xi32, #tpu.memory_space<vmem>>, vector<16xi32>,
    %swap3A_178 = vector.shape_cast %swap3A_177 : vector<16xi32> to vector<16xi32>
    %swap3A_179 = vector.shape_cast %shift_right_arithmetic3A_175 : vector<16xi32> to vector<16xi32>
    tpu.vector_store %arg6[%swap3A_176], %swap3A_179 {strides = array<i32>} : memref<512xi32, #tpu.memory_space<vmem>>, vector<16xi32>,
    %get3A_180 = arith.constant 288 : index
    %get3A_181 = tpu.vector_load %arg5[%get3A_180] {strides = array<i32>} : memref<512xi32, #tpu.memory_space<vmem>>, vector<16xi32>,
    %get3A_182 = vector.shape_cast %get3A_181 : vector<16xi32> to vector<16xi32>
    %shift_right_arithmetic3A_183 = arith.constant 1 : i32
    %shift_right_arithmetic3A_184 = vector.broadcast %shift_right_arithmetic3A_183 : i32 to vector<16xi32>
    %shift_right_arithmetic3A_185 = arith.shrsi %get3A_182, %shift_right_arithmetic3A_184 : vector<16xi32>
    %swap3A_186 = arith.constant 288 : index
    %swap3A_187 = tpu.vector_load %arg6[%swap3A_186] {strides = array<i32>} : memref<512xi32, #tpu.memory_space<vmem>>, vector<16xi32>,
    %swap3A_188 = vector.shape_cast %swap3A_187 : vector<16xi32> to vector<16xi32>
    %swap3A_189 = vector.shape_cast %shift_right_arithmetic3A_185 : vector<16xi32> to vector<16xi32>
    tpu.vector_store %arg6[%swap3A_186], %swap3A_189 {strides = array<i32>} : memref<512xi32, #tpu.memory_space<vmem>>, vector<16xi32>,
    %get3A_190 = arith.constant 304 : index
    %get3A_191 = tpu.vector_load %arg5[%get3A_190] {strides = array<i32>} : memref<512xi32, #tpu.memory_space<vmem>>, vector<16xi32>,
    %get3A_192 = vector.shape_cast %get3A_191 : vector<16xi32> to vector<16xi32>
    %shift_right_arithmetic3A_193 = arith.constant 1 : i32
    %shift_right_arithmetic3A_194 = vector.broadcast %shift_right_arithmetic3A_193 : i32 to vector<16xi32>
    %shift_right_arithmetic3A_195 = arith.shrsi %get3A_192, %shift_right_arithmetic3A_194 : vector<16xi32>
    %swap3A_196 = arith.constant 304 : index
    %swap3A_197 = tpu.vector_load %arg6[%swap3A_196] {strides = array<i32>} : memref<512xi32, #tpu.memory_space<vmem>>, vector<16xi32>,
    %swap3A_198 = vector.shape_cast %swap3A_197 : vector<16xi32> to vector<16xi32>
    %swap3A_199 = vector.shape_cast %shift_right_arithmetic3A_195 : vector<16xi32> to vector<16xi32>
    tpu.vector_store %arg6[%swap3A_196], %swap3A_199 {strides = array<i32>} : memref<512xi32, #tpu.memory_space<vmem>>, vector<16xi32>,
    %get3A_200 = arith.constant 320 : index
    %get3A_201 = tpu.vector_load %arg5[%get3A_200] {strides = array<i32>} : memref<512xi32, #tpu.memory_space<vmem>>, vector<16xi32>,
    %get3A_202 = vector.shape_cast %get3A_201 : vector<16xi32> to vector<16xi32>
    %shift_right_arithmetic3A_203 = arith.constant 1 : i32
    %shift_right_arithmetic3A_204 = vector.broadcast %shift_right_arithmetic3A_203 : i32 to vector<16xi32>
    %shift_right_arithmetic3A_205 = arith.shrsi %get3A_202, %shift_right_arithmetic3A_204 : vector<16xi32>
    %swap3A_206 = arith.constant 320 : index
    %swap3A_207 = tpu.vector_load %arg6[%swap3A_206] {strides = array<i32>} : memref<512xi32, #tpu.memory_space<vmem>>, vector<16xi32>,
    %swap3A_208 = vector.shape_cast %swap3A_207 : vector<16xi32> to vector<16xi32>
    %swap3A_209 = vector.shape_cast %shift_right_arithmetic3A_205 : vector<16xi32> to vector<16xi32>
    tpu.vector_store %arg6[%swap3A_206], %swap3A_209 {strides = array<i32>} : memref<512xi32, #tpu.memory_space<vmem>>, vector<16xi32>,
    %get3A_210 = arith.constant 336 : index
    %get3A_211 = tpu.vector_load %arg5[%get3A_210] {strides = array<i32>} : memref<512xi32, #tpu.memory_space<vmem>>, vector<16xi32>,
    %get3A_212 = vector.shape_cast %get3A_211 : vector<16xi32> to vector<16xi32>
    %shift_right_arithmetic3A_213 = arith.constant 1 : i32
    %shift_right_arithmetic3A_214 = vector.broadcast %shift_right_arithmetic3A_213 : i32 to vector<16xi32>
    %shift_right_arithmetic3A_215 = arith.shrsi %get3A_212, %shift_right_arithmetic3A_214 : vector<16xi32>
    %swap3A_216 = arith.constant 336 : index
    %swap3A_217 = tpu.vector_load %arg6[%swap3A_216] {strides = array<i32>} : memref<512xi32, #tpu.memory_space<vmem>>, vector<16xi32>,
    %swap3A_218 = vector.shape_cast %swap3A_217 : vector<16xi32> to vector<16xi32>
    %swap3A_219 = vector.shape_cast %shift_right_arithmetic3A_215 : vector<16xi32> to vector<16xi32>
    tpu.vector_store %arg6[%swap3A_216], %swap3A_219 {strides = array<i32>} : memref<512xi32, #tpu.memory_space<vmem>>, vector<16xi32>,
    %get3A_220 = arith.constant 352 : index
    %get3A_221 = tpu.vector_load %arg5[%get3A_220] {strides = array<i32>} : memref<512xi32, #tpu.memory_space<vmem>>, vector<16xi32>,
    %get3A_222 = vector.shape_cast %get3A_221 : vector<16xi32> to vector<16xi32>
    %shift_right_arithmetic3A_223 = arith.constant 1 : i32
    %shift_right_arithmetic3A_224 = vector.broadcast %shift_right_arithmetic3A_223 : i32 to vector<16xi32>
    %shift_right_arithmetic3A_225 = arith.shrsi %get3A_222, %shift_right_arithmetic3A_224 : vector<16xi32>
    %swap3A_226 = arith.constant 352 : index
    %swap3A_227 = tpu.vector_load %arg6[%swap3A_226] {strides = array<i32>} : memref<512xi32, #tpu.memory_space<vmem>>, vector<16xi32>,
    %swap3A_228 = vector.shape_cast %swap3A_227 : vector<16xi32> to vector<16xi32>
    %swap3A_229 = vector.shape_cast %shift_right_arithmetic3A_225 : vector<16xi32> to vector<16xi32>
    tpu.vector_store %arg6[%swap3A_226], %swap3A_229 {strides = array<i32>} : memref<512xi32, #tpu.memory_space<vmem>>, vector<16xi32>,
    %get3A_230 = arith.constant 368 : index
    %get3A_231 = tpu.vector_load %arg5[%get3A_230] {strides = array<i32>} : memref<512xi32, #tpu.memory_space<vmem>>, vector<16xi32>,
    %get3A_232 = vector.shape_cast %get3A_231 : vector<16xi32> to vector<16xi32>
    %shift_right_arithmetic3A_233 = arith.constant 1 : i32
    %shift_right_arithmetic3A_234 = vector.broadcast %shift_right_arithmetic3A_233 : i32 to vector<16xi32>
    %shift_right_arithmetic3A_235 = arith.shrsi %get3A_232, %shift_right_arithmetic3A_234 : vector<16xi32>
    %swap3A_236 = arith.constant 368 : index
    %swap3A_237 = tpu.vector_load %arg6[%swap3A_236] {strides = array<i32>} : memref<512xi32, #tpu.memory_space<vmem>>, vector<16xi32>,
    %swap3A_238 = vector.shape_cast %swap3A_237 : vector<16xi32> to vector<16xi32>
    %swap3A_239 = vector.shape_cast %shift_right_arithmetic3A_235 : vector<16xi32> to vector<16xi32>
    tpu.vector_store %arg6[%swap3A_236], %swap3A_239 {strides = array<i32>} : memref<512xi32, #tpu.memory_space<vmem>>, vector<16xi32>,
    %get3A_240 = arith.constant 384 : index
    %get3A_241 = tpu.vector_load %arg5[%get3A_240] {strides = array<i32>} : memref<512xi32, #tpu.memory_space<vmem>>, vector<16xi32>,
    %get3A_242 = vector.shape_cast %get3A_241 : vector<16xi32> to vector<16xi32>
    %shift_right_arithmetic3A_243 = arith.constant 1 : i32
    %shift_right_arithmetic3A_244 = vector.broadcast %shift_right_arithmetic3A_243 : i32 to vector<16xi32>
    %shift_right_arithmetic3A_245 = arith.shrsi %get3A_242, %shift_right_arithmetic3A_244 : vector<16xi32>
    %swap3A_246 = arith.constant 384 : index
    %swap3A_247 = tpu.vector_load %arg6[%swap3A_246] {strides = array<i32>} : memref<512xi32, #tpu.memory_space<vmem>>, vector<16xi32>,
    %swap3A_248 = vector.shape_cast %swap3A_247 : vector<16xi32> to vector<16xi32>
    %swap3A_249 = vector.shape_cast %shift_right_arithmetic3A_245 : vector<16xi32> to vector<16xi32>
    tpu.vector_store %arg6[%swap3A_246], %swap3A_249 {strides = array<i32>} : memref<512xi32, #tpu.memory_space<vmem>>, vector<16xi32>,
    %get3A_250 = arith.constant 400 : index
    %get3A_251 = tpu.vector_load %arg5[%get3A_250] {strides = array<i32>} : memref<512xi32, #tpu.memory_space<vmem>>, vector<16xi32>,
    %get3A_252 = vector.shape_cast %get3A_251 : vector<16xi32> to vector<16xi32>
    %shift_right_arithmetic3A_253 = arith.constant 1 : i32
    %shift_right_arithmetic3A_254 = vector.broadcast %shift_right_arithmetic3A_253 : i32 to vector<16xi32>
    %shift_right_arithmetic3A_255 = arith.shrsi %get3A_252, %shift_right_arithmetic3A_254 : vector<16xi32>
    %swap3A_256 = arith.constant 400 : index
    %swap3A_257 = tpu.vector_load %arg6[%swap3A_256] {strides = array<i32>} : memref<512xi32, #tpu.memory_space<vmem>>, vector<16xi32>,
    %swap3A_258 = vector.shape_cast %swap3A_257 : vector<16xi32> to vector<16xi32>
    %swap3A_259 = vector.shape_cast %shift_right_arithmetic3A_255 : vector<16xi32> to vector<16xi32>
    tpu.vector_store %arg6[%swap3A_256], %swap3A_259 {strides = array<i32>} : memref<512xi32, #tpu.memory_space<vmem>>, vector<16xi32>,
    %get3A_260 = arith.constant 416 : index
    %get3A_261 = tpu.vector_load %arg5[%get3A_260] {strides = array<i32>} : memref<512xi32, #tpu.memory_space<vmem>>, vector<16xi32>,
    %get3A_262 = vector.shape_cast %get3A_261 : vector<16xi32> to vector<16xi32>
    %shift_right_arithmetic3A_263 = arith.constant 1 : i32
    %shift_right_arithmetic3A_264 = vector.broadcast %shift_right_arithmetic3A_263 : i32 to vector<16xi32>
    %shift_right_arithmetic3A_265 = arith.shrsi %get3A_262, %shift_right_arithmetic3A_264 : vector<16xi32>
    %swap3A_266 = arith.constant 416 : index
    %swap3A_267 = tpu.vector_load %arg6[%swap3A_266] {strides = array<i32>} : memref<512xi32, #tpu.memory_space<vmem>>, vector<16xi32>,
    %swap3A_268 = vector.shape_cast %swap3A_267 : vector<16xi32> to vector<16xi32>
    %swap3A_269 = vector.shape_cast %shift_right_arithmetic3A_265 : vector<16xi32> to vector<16xi32>
    tpu.vector_store %arg6[%swap3A_266], %swap3A_269 {strides = array<i32>} : memref<512xi32, #tpu.memory_space<vmem>>, vector<16xi32>,
    %get3A_270 = arith.constant 432 : index
    %get3A_271 = tpu.vector_load %arg5[%get3A_270] {strides = array<i32>} : memref<512xi32, #tpu.memory_space<vmem>>, vector<16xi32>,
    %get3A_272 = vector.shape_cast %get3A_271 : vector<16xi32> to vector<16xi32>
    %shift_right_arithmetic3A_273 = arith.constant 1 : i32
    %shift_right_arithmetic3A_274 = vector.broadcast %shift_right_arithmetic3A_273 : i32 to vector<16xi32>
    %shift_right_arithmetic3A_275 = arith.shrsi %get3A_272, %shift_right_arithmetic3A_274 : vector<16xi32>
    %swap3A_276 = arith.constant 432 : index
    %swap3A_277 = tpu.vector_load %arg6[%swap3A_276] {strides = array<i32>} : memref<512xi32, #tpu.memory_space<vmem>>, vector<16xi32>,
    %swap3A_278 = vector.shape_cast %swap3A_277 : vector<16xi32> to vector<16xi32>
    %swap3A_279 = vector.shape_cast %shift_right_arithmetic3A_275 : vector<16xi32> to vector<16xi32>
    tpu.vector_store %arg6[%swap3A_276], %swap3A_279 {strides = array<i32>} : memref<512xi32, #tpu.memory_space<vmem>>, vector<16xi32>,
    %get3A_280 = arith.constant 448 : index
    %get3A_281 = tpu.vector_load %arg5[%get3A_280] {strides = array<i32>} : memref<512xi32, #tpu.memory_space<vmem>>, vector<16xi32>,
    %get3A_282 = vector.shape_cast %get3A_281 : vector<16xi32> to vector<16xi32>
    %shift_right_arithmetic3A_283 = arith.constant 1 : i32
    %shift_right_arithmetic3A_284 = vector.broadcast %shift_right_arithmetic3A_283 : i32 to vector<16xi32>
    %shift_right_arithmetic3A_285 = arith.shrsi %get3A_282, %shift_right_arithmetic3A_284 : vector<16xi32>
    %swap3A_286 = arith.constant 448 : index
    %swap3A_287 = tpu.vector_load %arg6[%swap3A_286] {strides = array<i32>} : memref<512xi32, #tpu.memory_space<vmem>>, vector<16xi32>,
    %swap3A_288 = vector.shape_cast %swap3A_287 : vector<16xi32> to vector<16xi32>
    %swap3A_289 = vector.shape_cast %shift_right_arithmetic3A_285 : vector<16xi32> to vector<16xi32>
    tpu.vector_store %arg6[%swap3A_286], %swap3A_289 {strides = array<i32>} : memref<512xi32, #tpu.memory_space<vmem>>, vector<16xi32>,
    %get3A_290 = arith.constant 464 : index
    %get3A_291 = tpu.vector_load %arg5[%get3A_290] {strides = array<i32>} : memref<512xi32, #tpu.memory_space<vmem>>, vector<16xi32>,
    %get3A_292 = vector.shape_cast %get3A_291 : vector<16xi32> to vector<16xi32>
    %shift_right_arithmetic3A_293 = arith.constant 1 : i32
    %shift_right_arithmetic3A_294 = vector.broadcast %shift_right_arithmetic3A_293 : i32 to vector<16xi32>
    %shift_right_arithmetic3A_295 = arith.shrsi %get3A_292, %shift_right_arithmetic3A_294 : vector<16xi32>
    %swap3A_296 = arith.constant 464 : index
    %swap3A_297 = tpu.vector_load %arg6[%swap3A_296] {strides = array<i32>} : memref<512xi32, #tpu.memory_space<vmem>>, vector<16xi32>,
    %swap3A_298 = vector.shape_cast %swap3A_297 : vector<16xi32> to vector<16xi32>
    %swap3A_299 = vector.shape_cast %shift_right_arithmetic3A_295 : vector<16xi32> to vector<16xi32>
    tpu.vector_store %arg6[%swap3A_296], %swap3A_299 {strides = array<i32>} : memref<512xi32, #tpu.memory_space<vmem>>, vector<16xi32>,
    %get3A_300 = arith.constant 480 : index
    %get3A_301 = tpu.vector_load %arg5[%get3A_300] {strides = array<i32>} : memref<512xi32, #tpu.memory_space<vmem>>, vector<16xi32>,
    %get3A_302 = vector.shape_cast %get3A_301 : vector<16xi32> to vector<16xi32>
    %shift_right_arithmetic3A_303 = arith.constant 1 : i32
    %shift_right_arithmetic3A_304 = vector.broadcast %shift_right_arithmetic3A_303 : i32 to vector<16xi32>
    %shift_right_arithmetic3A_305 = arith.shrsi %get3A_302, %shift_right_arithmetic3A_304 : vector<16xi32>
    %swap3A_306 = arith.constant 480 : index
    %swap3A_307 = tpu.vector_load %arg6[%swap3A_306] {strides = array<i32>} : memref<512xi32, #tpu.memory_space<vmem>>, vector<16xi32>,
    %swap3A_308 = vector.shape_cast %swap3A_307 : vector<16xi32> to vector<16xi32>
    %swap3A_309 = vector.shape_cast %shift_right_arithmetic3A_305 : vector<16xi32> to vector<16xi32>
    tpu.vector_store %arg6[%swap3A_306], %swap3A_309 {strides = array<i32>} : memref<512xi32, #tpu.memory_space<vmem>>, vector<16xi32>,
    %get3A_310 = arith.constant 496 : index
    %get3A_311 = tpu.vector_load %arg5[%get3A_310] {strides = array<i32>} : memref<512xi32, #tpu.memory_space<vmem>>, vector<16xi32>,
    %get3A_312 = vector.shape_cast %get3A_311 : vector<16xi32> to vector<16xi32>
    %shift_right_arithmetic3A_313 = arith.constant 1 : i32
    %shift_right_arithmetic3A_314 = vector.broadcast %shift_right_arithmetic3A_313 : i32 to vector<16xi32>
    %shift_right_arithmetic3A_315 = arith.shrsi %get3A_312, %shift_right_arithmetic3A_314 : vector<16xi32>
    %swap3A_316 = arith.constant 496 : index
    %swap3A_317 = tpu.vector_load %arg6[%swap3A_316] {strides = array<i32>} : memref<512xi32, #tpu.memory_space<vmem>>, vector<16xi32>,
    %swap3A_318 = vector.shape_cast %swap3A_317 : vector<16xi32> to vector<16xi32>
    %swap3A_319 = vector.shape_cast %shift_right_arithmetic3A_315 : vector<16xi32> to vector<16xi32>
    tpu.vector_store %arg6[%swap3A_316], %swap3A_319 {strides = array<i32>} : memref<512xi32, #tpu.memory_space<vmem>>, vector<16xi32>,
    %dma_start3A = arith.constant 0 : i32
    %dma_start3A_320 = arith.constant 0 : i32
    %dma_start3A_321 = tpu.memref_slice %arg7[%dma_start3A, %dma_start3A_320] : memref<512x128xf32, #tpu.memory_space<vmem>> -> memref<128x128xf32, #tpu.memory_space<vmem>>
    %dma_start3A_322 = arith.constant 0 : i32
    %dma_start3A_323 = tpu.memref_slice %arg6[%dma_start3A_322] : memref<512xi32, #tpu.memory_space<vmem>> -> memref<128xi32, #tpu.memory_space<vmem>>
    %dma_start3A_324 = arith.constant 0 : i32
    %dma_start3A_325 = arith.constant 0 : i32
    %dma_start3A_326 = tpu.memref_slice %arg3[%dma_start3A_324, %dma_start3A_325] : memref<500000x128xf32, #tpu.memory_space<hbm>> -> memref<500000x128xf32, #tpu.memory_space<hbm>>
    tpu.enqueue_indirect_dma source(%dma_start3A_326 : memref<500000x128xf32, #tpu.memory_space<hbm>>) target(%dma_start3A_321 : memref<128x128xf32, #tpu.memory_space<vmem>>) offsets(%dma_start3A_323 : memref<128xi32, #tpu.memory_space<vmem>>) semaphore(%arg9 : memref<!tpu.dma_semaphore, #tpu.memory_space<semaphore_mem>>)
    %dma_start3A_327 = arith.constant 128 : i32
    %dma_start3A_328 = arith.constant 0 : i32
    %dma_start3A_329 = tpu.memref_slice %arg7[%dma_start3A_327, %dma_start3A_328] : memref<512x128xf32, #tpu.memory_space<vmem>> -> memref<128x128xf32, #tpu.memory_space<vmem>>
    %dma_start3A_330 = arith.constant 128 : i32
    %dma_start3A_331 = tpu.memref_slice %arg6[%dma_start3A_330] : memref<512xi32, #tpu.memory_space<vmem>> -> memref<128xi32, #tpu.memory_space<vmem>>
    %dma_start3A_332 = arith.constant 0 : i32
    %dma_start3A_333 = arith.constant 0 : i32
    %dma_start3A_334 = tpu.memref_slice %arg3[%dma_start3A_332, %dma_start3A_333] : memref<500000x128xf32, #tpu.memory_space<hbm>> -> memref<500000x128xf32, #tpu.memory_space<hbm>>
    tpu.enqueue_indirect_dma source(%dma_start3A_334 : memref<500000x128xf32, #tpu.memory_space<hbm>>) target(%dma_start3A_329 : memref<128x128xf32, #tpu.memory_space<vmem>>) offsets(%dma_start3A_331 : memref<128xi32, #tpu.memory_space<vmem>>) semaphore(%arg9 : memref<!tpu.dma_semaphore, #tpu.memory_space<semaphore_mem>>)
    %dma_start3A_335 = arith.constant 256 : i32
    %dma_start3A_336 = arith.constant 0 : i32
    %dma_start3A_337 = tpu.memref_slice %arg7[%dma_start3A_335, %dma_start3A_336] : memref<512x128xf32, #tpu.memory_space<vmem>> -> memref<128x128xf32, #tpu.memory_space<vmem>>
    %dma_start3A_338 = arith.constant 256 : i32
    %dma_start3A_339 = tpu.memref_slice %arg6[%dma_start3A_338] : memref<512xi32, #tpu.memory_space<vmem>> -> memref<128xi32, #tpu.memory_space<vmem>>
    %dma_start3A_340 = arith.constant 0 : i32
    %dma_start3A_341 = arith.constant 0 : i32
    %dma_start3A_342 = tpu.memref_slice %arg3[%dma_start3A_340, %dma_start3A_341] : memref<500000x128xf32, #tpu.memory_space<hbm>> -> memref<500000x128xf32, #tpu.memory_space<hbm>>
    tpu.enqueue_indirect_dma source(%dma_start3A_342 : memref<500000x128xf32, #tpu.memory_space<hbm>>) target(%dma_start3A_337 : memref<128x128xf32, #tpu.memory_space<vmem>>) offsets(%dma_start3A_339 : memref<128xi32, #tpu.memory_space<vmem>>) semaphore(%arg9 : memref<!tpu.dma_semaphore, #tpu.memory_space<semaphore_mem>>)
    %dma_start3A_343 = arith.constant 384 : i32
    %dma_start3A_344 = arith.constant 0 : i32
    %dma_start3A_345 = tpu.memref_slice %arg7[%dma_start3A_343, %dma_start3A_344] : memref<512x128xf32, #tpu.memory_space<vmem>> -> memref<128x128xf32, #tpu.memory_space<vmem>>
    %dma_start3A_346 = arith.constant 384 : i32
    %dma_start3A_347 = tpu.memref_slice %arg6[%dma_start3A_346] : memref<512xi32, #tpu.memory_space<vmem>> -> memref<128xi32, #tpu.memory_space<vmem>>
    %dma_start3A_348 = arith.constant 0 : i32
    %dma_start3A_349 = arith.constant 0 : i32
    %dma_start3A_350 = tpu.memref_slice %arg3[%dma_start3A_348, %dma_start3A_349] : memref<500000x128xf32, #tpu.memory_space<hbm>> -> memref<500000x128xf32, #tpu.memory_space<hbm>>
    tpu.enqueue_indirect_dma source(%dma_start3A_350 : memref<500000x128xf32, #tpu.memory_space<hbm>>) target(%dma_start3A_345 : memref<128x128xf32, #tpu.memory_space<vmem>>) offsets(%dma_start3A_347 : memref<128xi32, #tpu.memory_space<vmem>>) semaphore(%arg9 : memref<!tpu.dma_semaphore, #tpu.memory_space<semaphore_mem>>)
    %dma_wait3A = arith.constant 0 : i32
    %dma_wait3A_351 = arith.constant 0 : i32
    %dma_wait3A_352 = tpu.memref_slice %arg7[%dma_wait3A, %dma_wait3A_351] : memref<512x128xf32, #tpu.memory_space<vmem>> -> memref<128x128xf32, #tpu.memory_space<vmem>>
    %dma_wait3A_353 = arith.constant 0 : i32
    %dma_wait3A_354 = tpu.memref_slice %arg6[%dma_wait3A_353] : memref<512xi32, #tpu.memory_space<vmem>> -> memref<128xi32, #tpu.memory_space<vmem>>
    %dma_wait3A_355 = arith.constant 0 : i32
    %dma_wait3A_356 = arith.constant 0 : i32
    %dma_wait3A_357 = tpu.memref_slice %arg3[%dma_wait3A_355, %dma_wait3A_356] : memref<500000x128xf32, #tpu.memory_space<hbm>> -> memref<500000x128xf32, #tpu.memory_space<hbm>>
    tpu.wait_indirect_dma semaphore(%arg9 : memref<!tpu.dma_semaphore, #tpu.memory_space<semaphore_mem>>) src(%dma_wait3A_357 : memref<500000x128xf32, #tpu.memory_space<hbm>>) dst(%dma_wait3A_352 : memref<128x128xf32, #tpu.memory_space<vmem>>)
    %dma_wait3A_358 = arith.constant 128 : i32
    %dma_wait3A_359 = arith.constant 0 : i32
    %dma_wait3A_360 = tpu.memref_slice %arg7[%dma_wait3A_358, %dma_wait3A_359] : memref<512x128xf32, #tpu.memory_space<vmem>> -> memref<128x128xf32, #tpu.memory_space<vmem>>
    %dma_wait3A_361 = arith.constant 128 : i32
    %dma_wait3A_362 = tpu.memref_slice %arg6[%dma_wait3A_361] : memref<512xi32, #tpu.memory_space<vmem>> -> memref<128xi32, #tpu.memory_space<vmem>>
    %dma_wait3A_363 = arith.constant 0 : i32
    %dma_wait3A_364 = arith.constant 0 : i32
    %dma_wait3A_365 = tpu.memref_slice %arg3[%dma_wait3A_363, %dma_wait3A_364] : memref<500000x128xf32, #tpu.memory_space<hbm>> -> memref<500000x128xf32, #tpu.memory_space<hbm>>
    tpu.wait_indirect_dma semaphore(%arg9 : memref<!tpu.dma_semaphore, #tpu.memory_space<semaphore_mem>>) src(%dma_wait3A_365 : memref<500000x128xf32, #tpu.memory_space<hbm>>) dst(%dma_wait3A_360 : memref<128x128xf32, #tpu.memory_space<vmem>>)
    %dma_wait3A_366 = arith.constant 256 : i32
    %dma_wait3A_367 = arith.constant 0 : i32
    %dma_wait3A_368 = tpu.memref_slice %arg7[%dma_wait3A_366, %dma_wait3A_367] : memref<512x128xf32, #tpu.memory_space<vmem>> -> memref<128x128xf32, #tpu.memory_space<vmem>>
    %dma_wait3A_369 = arith.constant 256 : i32
    %dma_wait3A_370 = tpu.memref_slice %arg6[%dma_wait3A_369] : memref<512xi32, #tpu.memory_space<vmem>> -> memref<128xi32, #tpu.memory_space<vmem>>
    %dma_wait3A_371 = arith.constant 0 : i32
    %dma_wait3A_372 = arith.constant 0 : i32
    %dma_wait3A_373 = tpu.memref_slice %arg3[%dma_wait3A_371, %dma_wait3A_372] : memref<500000x128xf32, #tpu.memory_space<hbm>> -> memref<500000x128xf32, #tpu.memory_space<hbm>>
    tpu.wait_indirect_dma semaphore(%arg9 : memref<!tpu.dma_semaphore, #tpu.memory_space<semaphore_mem>>) src(%dma_wait3A_373 : memref<500000x128xf32, #tpu.memory_space<hbm>>) dst(%dma_wait3A_368 : memref<128x128xf32, #tpu.memory_space<vmem>>)
    %dma_wait3A_374 = arith.constant 384 : i32
    %dma_wait3A_375 = arith.constant 0 : i32
    %dma_wait3A_376 = tpu.memref_slice %arg7[%dma_wait3A_374, %dma_wait3A_375] : memref<512x128xf32, #tpu.memory_space<vmem>> -> memref<128x128xf32, #tpu.memory_space<vmem>>
    %dma_wait3A_377 = arith.constant 384 : i32
    %dma_wait3A_378 = tpu.memref_slice %arg6[%dma_wait3A_377] : memref<512xi32, #tpu.memory_space<vmem>> -> memref<128xi32, #tpu.memory_space<vmem>>
    %dma_wait3A_379 = arith.constant 0 : i32
    %dma_wait3A_380 = arith.constant 0 : i32
    %dma_wait3A_381 = tpu.memref_slice %arg3[%dma_wait3A_379, %dma_wait3A_380] : memref<500000x128xf32, #tpu.memory_space<hbm>> -> memref<500000x128xf32, #tpu.memory_space<hbm>>
    tpu.wait_indirect_dma semaphore(%arg9 : memref<!tpu.dma_semaphore, #tpu.memory_space<semaphore_mem>>) src(%dma_wait3A_381 : memref<500000x128xf32, #tpu.memory_space<hbm>>) dst(%dma_wait3A_376 : memref<128x128xf32, #tpu.memory_space<vmem>>)
    %scan3A = arith.constant 0 : i32
    %scan3A_382 = arith.constant 0 : i32
    %scan3A_383 = arith.constant 32 : i32
    %scan3A_384 = arith.addi %scan3A_382, %scan3A_383 : i32
    %scan3A_385 = arith.constant 1 : i32
    scf.for %scan3A_389 = %scan3A_382 to %scan3A_384 step %scan3A_385  : i32 {
      %mul3A_390 = arith.constant 16 : i32
      %mul3A_391 = arith.muli %scan3A_389, %mul3A_390 : i32
      %get3A_392 = arith.index_cast %mul3A_391 : i32 to index
      %get3A_393 = tpu.vector_load %arg5[%get3A_392] {strides = array<i32>} : memref<512xi32, #tpu.memory_space<vmem>>, vector<16xi32>,
      %get3A_394 = vector.shape_cast %get3A_393 : vector<16xi32> to vector<16xi32>
      %and3A = arith.constant 1 : i32
      %and3A_395 = vector.broadcast %and3A : i32 to vector<16xi32>
      %and3A_396 = arith.andi %get3A_394, %and3A_395 : vector<16xi32>
      %mul3A_397 = arith.constant 16 : i32
      %mul3A_398 = arith.muli %scan3A_389, %mul3A_397 : i32
      %add3A_399 = arith.constant 0 : i32
      %add3A_400 = arith.addi %mul3A_398, %add3A_399 : i32
      %slice3A = vector.extract_strided_slice %and3A_396 {offsets = [0], sizes = [1], strides = [1]} : vector<16xi32> to vector<1xi32>
      %squeeze3A = vector.extract %slice3A[0] : i32 from vector<1xi32>
      %mul3A_401 = arith.constant 64 : i32
      %mul3A_402 = arith.muli %squeeze3A, %mul3A_401 : i32
      %add3A_403 = arith.constant 0 : i32
      %add3A_404 = arith.addi %mul3A_402, %add3A_403 : i32
      %get3A_405 = arith.index_cast %add3A_400 : i32 to index
      %get3A_406 = arith.index_cast %add3A_404 : i32 to index
      %get3A_407 = tpu.vector_load %arg7[%get3A_405, %get3A_406] {strides = array<i32>} : memref<512x128xf32, #tpu.memory_space<vmem>>, vector<1x16xf32>,
      %get3A_408 = vector.shape_cast %get3A_407 : vector<1x16xf32> to vector<16xf32>
      %mul3A_409 = arith.constant 64 : i32
      %mul3A_410 = arith.muli %add3A_400, %mul3A_409 : i32
      %add3A_411 = arith.constant 0 : i32
      %add3A_412 = arith.addi %mul3A_410, %add3A_411 : i32
      %swap3A_413 = arith.index_cast %add3A_412 : i32 to index
      %swap3A_414 = tpu.vector_load %arg8[%swap3A_413] {strides = array<i32>} : memref<32768xf32, #tpu.memory_space<vmem>>, vector<16xf32>,
      %swap3A_415 = vector.shape_cast %swap3A_414 : vector<16xf32> to vector<16xf32>
      %swap3A_416 = vector.shape_cast %get3A_408 : vector<16xf32> to vector<16xf32>
      tpu.vector_store %arg8[%swap3A_413], %swap3A_416 {strides = array<i32>} : memref<32768xf32, #tpu.memory_space<vmem>>, vector<16xf32>,
      %add3A_417 = arith.constant 16 : i32
      %add3A_418 = arith.addi %mul3A_402, %add3A_417 : i32
      %get3A_419 = arith.index_cast %add3A_400 : i32 to index
      %get3A_420 = arith.index_cast %add3A_418 : i32 to index
      %get3A_421 = tpu.vector_load %arg7[%get3A_419, %get3A_420] {strides = array<i32>} : memref<512x128xf32, #tpu.memory_space<vmem>>, vector<1x16xf32>,
      %get3A_422 = vector.shape_cast %get3A_421 : vector<1x16xf32> to vector<16xf32>
      %mul3A_423 = arith.constant 64 : i32
      %mul3A_424 = arith.muli %add3A_400, %mul3A_423 : i32
      %add3A_425 = arith.constant 16 : i32
      %add3A_426 = arith.addi %mul3A_424, %add3A_425 : i32
      %swap3A_427 = arith.index_cast %add3A_426 : i32 to index
      %swap3A_428 = tpu.vector_load %arg8[%swap3A_427] {strides = array<i32>} : memref<32768xf32, #tpu.memory_space<vmem>>, vector<16xf32>,
      %swap3A_429 = vector.shape_cast %swap3A_428 : vector<16xf32> to vector<16xf32>
      %swap3A_430 = vector.shape_cast %get3A_422 : vector<16xf32> to vector<16xf32>
      tpu.vector_store %arg8[%swap3A_427], %swap3A_430 {strides = array<i32>} : memref<32768xf32, #tpu.memory_space<vmem>>, vector<16xf32>,
      %add3A_431 = arith.constant 32 : i32
      %add3A_432 = arith.addi %mul3A_402, %add3A_431 : i32
      %get3A_433 = arith.index_cast %add3A_400 : i32 to index
      %get3A_434 = arith.index_cast %add3A_432 : i32 to index
      %get3A_435 = tpu.vector_load %arg7[%get3A_433, %get3A_434] {strides = array<i32>} : memref<512x128xf32, #tpu.memory_space<vmem>>, vector<1x16xf32>,
      %get3A_436 = vector.shape_cast %get3A_435 : vector<1x16xf32> to vector<16xf32>
      %mul3A_437 = arith.constant 64 : i32
      %mul3A_438 = arith.muli %add3A_400, %mul3A_437 : i32
      %add3A_439 = arith.constant 32 : i32
      %add3A_440 = arith.addi %mul3A_438, %add3A_439 : i32
      %swap3A_441 = arith.index_cast %add3A_440 : i32 to index
      %swap3A_442 = tpu.vector_load %arg8[%swap3A_441] {strides = array<i32>} : memref<32768xf32, #tpu.memory_space<vmem>>, vector<16xf32>,
      %swap3A_443 = vector.shape_cast %swap3A_442 : vector<16xf32> to vector<16xf32>
      %swap3A_444 = vector.shape_cast %get3A_436 : vector<16xf32> to vector<16xf32>
      tpu.vector_store %arg8[%swap3A_441], %swap3A_444 {strides = array<i32>} : memref<32768xf32, #tpu.memory_space<vmem>>, vector<16xf32>,
      %add3A_445 = arith.constant 48 : i32
      %add3A_446 = arith.addi %mul3A_402, %add3A_445 : i32
      %get3A_447 = arith.index_cast %add3A_400 : i32 to index
      %get3A_448 = arith.index_cast %add3A_446 : i32 to index
      %get3A_449 = tpu.vector_load %arg7[%get3A_447, %get3A_448] {strides = array<i32>} : memref<512x128xf32, #tpu.memory_space<vmem>>, vector<1x16xf32>,
      %get3A_450 = vector.shape_cast %get3A_449 : vector<1x16xf32> to vector<16xf32>
      %mul3A_451 = arith.constant 64 : i32
      %mul3A_452 = arith.muli %add3A_400, %mul3A_451 : i32
      %add3A_453 = arith.constant 48 : i32
      %add3A_454 = arith.addi %mul3A_452, %add3A_453 : i32
      %swap3A_455 = arith.index_cast %add3A_454 : i32 to index
      %swap3A_456 = tpu.vector_load %arg8[%swap3A_455] {strides = array<i32>} : memref<32768xf32, #tpu.memory_space<vmem>>, vector<16xf32>,
      %swap3A_457 = vector.shape_cast %swap3A_456 : vector<16xf32> to vector<16xf32>
      %swap3A_458 = vector.shape_cast %get3A_450 : vector<16xf32> to vector<16xf32>
      tpu.vector_store %arg8[%swap3A_455], %swap3A_458 {strides = array<i32>} : memref<32768xf32, #tpu.memory_space<vmem>>, vector<16xf32>,
      %mul3A_459 = arith.constant 16 : i32
      %mul3A_460 = arith.muli %scan3A_389, %mul3A_459 : i32
      %add3A_461 = arith.constant 1 : i32
      %add3A_462 = arith.addi %mul3A_460, %add3A_461 : i32
      %slice3A_463 = vector.extract_strided_slice %and3A_396 {offsets = [1], sizes = [1], strides = [1]} : vector<16xi32> to vector<1xi32>
      %squeeze3A_464 = vector.extract %slice3A_463[0] : i32 from vector<1xi32>
      %mul3A_465 = arith.constant 64 : i32
      %mul3A_466 = arith.muli %squeeze3A_464, %mul3A_465 : i32
      %add3A_467 = arith.constant 0 : i32
      %add3A_468 = arith.addi %mul3A_466, %add3A_467 : i32
      %get3A_469 = arith.index_cast %add3A_462 : i32 to index
      %get3A_470 = arith.index_cast %add3A_468 : i32 to index
      %get3A_471 = tpu.vector_load %arg7[%get3A_469, %get3A_470] {strides = array<i32>} : memref<512x128xf32, #tpu.memory_space<vmem>>, vector<1x16xf32>,
      %get3A_472 = vector.shape_cast %get3A_471 : vector<1x16xf32> to vector<16xf32>
      %mul3A_473 = arith.constant 64 : i32
      %mul3A_474 = arith.muli %add3A_462, %mul3A_473 : i32
      %add3A_475 = arith.constant 0 : i32
      %add3A_476 = arith.addi %mul3A_474, %add3A_475 : i32
      %swap3A_477 = arith.index_cast %add3A_476 : i32 to index
      %swap3A_478 = tpu.vector_load %arg8[%swap3A_477] {strides = array<i32>} : memref<32768xf32, #tpu.memory_space<vmem>>, vector<16xf32>,
      %swap3A_479 = vector.shape_cast %swap3A_478 : vector<16xf32> to vector<16xf32>
      %swap3A_480 = vector.shape_cast %get3A_472 : vector<16xf32> to vector<16xf32>
      tpu.vector_store %arg8[%swap3A_477], %swap3A_480 {strides = array<i32>} : memref<32768xf32, #tpu.memory_space<vmem>>, vector<16xf32>,
      %add3A_481 = arith.constant 16 : i32
      %add3A_482 = arith.addi %mul3A_466, %add3A_481 : i32
      %get3A_483 = arith.index_cast %add3A_462 : i32 to index
      %get3A_484 = arith.index_cast %add3A_482 : i32 to index
      %get3A_485 = tpu.vector_load %arg7[%get3A_483, %get3A_484] {strides = array<i32>} : memref<512x128xf32, #tpu.memory_space<vmem>>, vector<1x16xf32>,
      %get3A_486 = vector.shape_cast %get3A_485 : vector<1x16xf32> to vector<16xf32>
      %mul3A_487 = arith.constant 64 : i32
      %mul3A_488 = arith.muli %add3A_462, %mul3A_487 : i32
      %add3A_489 = arith.constant 16 : i32
      %add3A_490 = arith.addi %mul3A_488, %add3A_489 : i32
      %swap3A_491 = arith.index_cast %add3A_490 : i32 to index
      %swap3A_492 = tpu.vector_load %arg8[%swap3A_491] {strides = array<i32>} : memref<32768xf32, #tpu.memory_space<vmem>>, vector<16xf32>,
      %swap3A_493 = vector.shape_cast %swap3A_492 : vector<16xf32> to vector<16xf32>
      %swap3A_494 = vector.shape_cast %get3A_486 : vector<16xf32> to vector<16xf32>
      tpu.vector_store %arg8[%swap3A_491], %swap3A_494 {strides = array<i32>} : memref<32768xf32, #tpu.memory_space<vmem>>, vector<16xf32>,
      %add3A_495 = arith.constant 32 : i32
      %add3A_496 = arith.addi %mul3A_466, %add3A_495 : i32
      %get3A_497 = arith.index_cast %add3A_462 : i32 to index
      %get3A_498 = arith.index_cast %add3A_496 : i32 to index
      %get3A_499 = tpu.vector_load %arg7[%get3A_497, %get3A_498] {strides = array<i32>} : memref<512x128xf32, #tpu.memory_space<vmem>>, vector<1x16xf32>,
      %get3A_500 = vector.shape_cast %get3A_499 : vector<1x16xf32> to vector<16xf32>
      %mul3A_501 = arith.constant 64 : i32
      %mul3A_502 = arith.muli %add3A_462, %mul3A_501 : i32
      %add3A_503 = arith.constant 32 : i32
      %add3A_504 = arith.addi %mul3A_502, %add3A_503 : i32
      %swap3A_505 = arith.index_cast %add3A_504 : i32 to index
      %swap3A_506 = tpu.vector_load %arg8[%swap3A_505] {strides = array<i32>} : memref<32768xf32, #tpu.memory_space<vmem>>, vector<16xf32>,
      %swap3A_507 = vector.shape_cast %swap3A_506 : vector<16xf32> to vector<16xf32>
      %swap3A_508 = vector.shape_cast %get3A_500 : vector<16xf32> to vector<16xf32>
      tpu.vector_store %arg8[%swap3A_505], %swap3A_508 {strides = array<i32>} : memref<32768xf32, #tpu.memory_space<vmem>>, vector<16xf32>,
      %add3A_509 = arith.constant 48 : i32
      %add3A_510 = arith.addi %mul3A_466, %add3A_509 : i32
      %get3A_511 = arith.index_cast %add3A_462 : i32 to index
      %get3A_512 = arith.index_cast %add3A_510 : i32 to index
      %get3A_513 = tpu.vector_load %arg7[%get3A_511, %get3A_512] {strides = array<i32>} : memref<512x128xf32, #tpu.memory_space<vmem>>, vector<1x16xf32>,
      %get3A_514 = vector.shape_cast %get3A_513 : vector<1x16xf32> to vector<16xf32>
      %mul3A_515 = arith.constant 64 : i32
      %mul3A_516 = arith.muli %add3A_462, %mul3A_515 : i32
      %add3A_517 = arith.constant 48 : i32
      %add3A_518 = arith.addi %mul3A_516, %add3A_517 : i32
      %swap3A_519 = arith.index_cast %add3A_518 : i32 to index
      %swap3A_520 = tpu.vector_load %arg8[%swap3A_519] {strides = array<i32>} : memref<32768xf32, #tpu.memory_space<vmem>>, vector<16xf32>,
      %swap3A_521 = vector.shape_cast %swap3A_520 : vector<16xf32> to vector<16xf32>
      %swap3A_522 = vector.shape_cast %get3A_514 : vector<16xf32> to vector<16xf32>
      tpu.vector_store %arg8[%swap3A_519], %swap3A_522 {strides = array<i32>} : memref<32768xf32, #tpu.memory_space<vmem>>, vector<16xf32>,
      %mul3A_523 = arith.constant 16 : i32
      %mul3A_524 = arith.muli %scan3A_389, %mul3A_523 : i32
      %add3A_525 = arith.constant 2 : i32
      %add3A_526 = arith.addi %mul3A_524, %add3A_525 : i32
      %slice3A_527 = vector.extract_strided_slice %and3A_396 {offsets = [2], sizes = [1], strides = [1]} : vector<16xi32> to vector<1xi32>
      %squeeze3A_528 = vector.extract %slice3A_527[0] : i32 from vector<1xi32>
      %mul3A_529 = arith.constant 64 : i32
      %mul3A_530 = arith.muli %squeeze3A_528, %mul3A_529 : i32
      %add3A_531 = arith.constant 0 : i32
      %add3A_532 = arith.addi %mul3A_530, %add3A_531 : i32
      %get3A_533 = arith.index_cast %add3A_526 : i32 to index
      %get3A_534 = arith.index_cast %add3A_532 : i32 to index
      %get3A_535 = tpu.vector_load %arg7[%get3A_533, %get3A_534] {strides = array<i32>} : memref<512x128xf32, #tpu.memory_space<vmem>>, vector<1x16xf32>,
      %get3A_536 = vector.shape_cast %get3A_535 : vector<1x16xf32> to vector<16xf32>
      %mul3A_537 = arith.constant 64 : i32
      %mul3A_538 = arith.muli %add3A_526, %mul3A_537 : i32
      %add3A_539 = arith.constant 0 : i32
      %add3A_540 = arith.addi %mul3A_538, %add3A_539 : i32
      %swap3A_541 = arith.index_cast %add3A_540 : i32 to index
      %swap3A_542 = tpu.vector_load %arg8[%swap3A_541] {strides = array<i32>} : memref<32768xf32, #tpu.memory_space<vmem>>, vector<16xf32>,
      %swap3A_543 = vector.shape_cast %swap3A_542 : vector<16xf32> to vector<16xf32>
      %swap3A_544 = vector.shape_cast %get3A_536 : vector<16xf32> to vector<16xf32>
      tpu.vector_store %arg8[%swap3A_541], %swap3A_544 {strides = array<i32>} : memref<32768xf32, #tpu.memory_space<vmem>>, vector<16xf32>,
      %add3A_545 = arith.constant 16 : i32
      %add3A_546 = arith.addi %mul3A_530, %add3A_545 : i32
      %get3A_547 = arith.index_cast %add3A_526 : i32 to index
      %get3A_548 = arith.index_cast %add3A_546 : i32 to index
      %get3A_549 = tpu.vector_load %arg7[%get3A_547, %get3A_548] {strides = array<i32>} : memref<512x128xf32, #tpu.memory_space<vmem>>, vector<1x16xf32>,
      %get3A_550 = vector.shape_cast %get3A_549 : vector<1x16xf32> to vector<16xf32>
      %mul3A_551 = arith.constant 64 : i32
      %mul3A_552 = arith.muli %add3A_526, %mul3A_551 : i32
      %add3A_553 = arith.constant 16 : i32
      %add3A_554 = arith.addi %mul3A_552, %add3A_553 : i32
      %swap3A_555 = arith.index_cast %add3A_554 : i32 to index
      %swap3A_556 = tpu.vector_load %arg8[%swap3A_555] {strides = array<i32>} : memref<32768xf32, #tpu.memory_space<vmem>>, vector<16xf32>,
      %swap3A_557 = vector.shape_cast %swap3A_556 : vector<16xf32> to vector<16xf32>
      %swap3A_558 = vector.shape_cast %get3A_550 : vector<16xf32> to vector<16xf32>
      tpu.vector_store %arg8[%swap3A_555], %swap3A_558 {strides = array<i32>} : memref<32768xf32, #tpu.memory_space<vmem>>, vector<16xf32>,
      %add3A_559 = arith.constant 32 : i32
      %add3A_560 = arith.addi %mul3A_530, %add3A_559 : i32
      %get3A_561 = arith.index_cast %add3A_526 : i32 to index
      %get3A_562 = arith.index_cast %add3A_560 : i32 to index
      %get3A_563 = tpu.vector_load %arg7[%get3A_561, %get3A_562] {strides = array<i32>} : memref<512x128xf32, #tpu.memory_space<vmem>>, vector<1x16xf32>,
      %get3A_564 = vector.shape_cast %get3A_563 : vector<1x16xf32> to vector<16xf32>
      %mul3A_565 = arith.constant 64 : i32
      %mul3A_566 = arith.muli %add3A_526, %mul3A_565 : i32
      %add3A_567 = arith.constant 32 : i32
      %add3A_568 = arith.addi %mul3A_566, %add3A_567 : i32
      %swap3A_569 = arith.index_cast %add3A_568 : i32 to index
      %swap3A_570 = tpu.vector_load %arg8[%swap3A_569] {strides = array<i32>} : memref<32768xf32, #tpu.memory_space<vmem>>, vector<16xf32>,
      %swap3A_571 = vector.shape_cast %swap3A_570 : vector<16xf32> to vector<16xf32>
      %swap3A_572 = vector.shape_cast %get3A_564 : vector<16xf32> to vector<16xf32>
      tpu.vector_store %arg8[%swap3A_569], %swap3A_572 {strides = array<i32>} : memref<32768xf32, #tpu.memory_space<vmem>>, vector<16xf32>,
      %add3A_573 = arith.constant 48 : i32
      %add3A_574 = arith.addi %mul3A_530, %add3A_573 : i32
      %get3A_575 = arith.index_cast %add3A_526 : i32 to index
      %get3A_576 = arith.index_cast %add3A_574 : i32 to index
      %get3A_577 = tpu.vector_load %arg7[%get3A_575, %get3A_576] {strides = array<i32>} : memref<512x128xf32, #tpu.memory_space<vmem>>, vector<1x16xf32>,
      %get3A_578 = vector.shape_cast %get3A_577 : vector<1x16xf32> to vector<16xf32>
      %mul3A_579 = arith.constant 64 : i32
      %mul3A_580 = arith.muli %add3A_526, %mul3A_579 : i32
      %add3A_581 = arith.constant 48 : i32
      %add3A_582 = arith.addi %mul3A_580, %add3A_581 : i32
      %swap3A_583 = arith.index_cast %add3A_582 : i32 to index
      %swap3A_584 = tpu.vector_load %arg8[%swap3A_583] {strides = array<i32>} : memref<32768xf32, #tpu.memory_space<vmem>>, vector<16xf32>,
      %swap3A_585 = vector.shape_cast %swap3A_584 : vector<16xf32> to vector<16xf32>
      %swap3A_586 = vector.shape_cast %get3A_578 : vector<16xf32> to vector<16xf32>
      tpu.vector_store %arg8[%swap3A_583], %swap3A_586 {strides = array<i32>} : memref<32768xf32, #tpu.memory_space<vmem>>, vector<16xf32>,
      %mul3A_587 = arith.constant 16 : i32
      %mul3A_588 = arith.muli %scan3A_389, %mul3A_587 : i32
      %add3A_589 = arith.constant 3 : i32
      %add3A_590 = arith.addi %mul3A_588, %add3A_589 : i32
      %slice3A_591 = vector.extract_strided_slice %and3A_396 {offsets = [3], sizes = [1], strides = [1]} : vector<16xi32> to vector<1xi32>
      %squeeze3A_592 = vector.extract %slice3A_591[0] : i32 from vector<1xi32>
      %mul3A_593 = arith.constant 64 : i32
      %mul3A_594 = arith.muli %squeeze3A_592, %mul3A_593 : i32
      %add3A_595 = arith.constant 0 : i32
      %add3A_596 = arith.addi %mul3A_594, %add3A_595 : i32
      %get3A_597 = arith.index_cast %add3A_590 : i32 to index
      %get3A_598 = arith.index_cast %add3A_596 : i32 to index
      %get3A_599 = tpu.vector_load %arg7[%get3A_597, %get3A_598] {strides = array<i32>} : memref<512x128xf32, #tpu.memory_space<vmem>>, vector<1x16xf32>,
      %get3A_600 = vector.shape_cast %get3A_599 : vector<1x16xf32> to vector<16xf32>
      %mul3A_601 = arith.constant 64 : i32
      %mul3A_602 = arith.muli %add3A_590, %mul3A_601 : i32
      %add3A_603 = arith.constant 0 : i32
      %add3A_604 = arith.addi %mul3A_602, %add3A_603 : i32
      %swap3A_605 = arith.index_cast %add3A_604 : i32 to index
      %swap3A_606 = tpu.vector_load %arg8[%swap3A_605] {strides = array<i32>} : memref<32768xf32, #tpu.memory_space<vmem>>, vector<16xf32>,
      %swap3A_607 = vector.shape_cast %swap3A_606 : vector<16xf32> to vector<16xf32>
      %swap3A_608 = vector.shape_cast %get3A_600 : vector<16xf32> to vector<16xf32>
      tpu.vector_store %arg8[%swap3A_605], %swap3A_608 {strides = array<i32>} : memref<32768xf32, #tpu.memory_space<vmem>>, vector<16xf32>,
      %add3A_609 = arith.constant 16 : i32
      %add3A_610 = arith.addi %mul3A_594, %add3A_609 : i32
      %get3A_611 = arith.index_cast %add3A_590 : i32 to index
      %get3A_612 = arith.index_cast %add3A_610 : i32 to index
      %get3A_613 = tpu.vector_load %arg7[%get3A_611, %get3A_612] {strides = array<i32>} : memref<512x128xf32, #tpu.memory_space<vmem>>, vector<1x16xf32>,
      %get3A_614 = vector.shape_cast %get3A_613 : vector<1x16xf32> to vector<16xf32>
      %mul3A_615 = arith.constant 64 : i32
      %mul3A_616 = arith.muli %add3A_590, %mul3A_615 : i32
      %add3A_617 = arith.constant 16 : i32
      %add3A_618 = arith.addi %mul3A_616, %add3A_617 : i32
      %swap3A_619 = arith.index_cast %add3A_618 : i32 to index
      %swap3A_620 = tpu.vector_load %arg8[%swap3A_619] {strides = array<i32>} : memref<32768xf32, #tpu.memory_space<vmem>>, vector<16xf32>,
      %swap3A_621 = vector.shape_cast %swap3A_620 : vector<16xf32> to vector<16xf32>
      %swap3A_622 = vector.shape_cast %get3A_614 : vector<16xf32> to vector<16xf32>
      tpu.vector_store %arg8[%swap3A_619], %swap3A_622 {strides = array<i32>} : memref<32768xf32, #tpu.memory_space<vmem>>, vector<16xf32>,
      %add3A_623 = arith.constant 32 : i32
      %add3A_624 = arith.addi %mul3A_594, %add3A_623 : i32
      %get3A_625 = arith.index_cast %add3A_590 : i32 to index
      %get3A_626 = arith.index_cast %add3A_624 : i32 to index
      %get3A_627 = tpu.vector_load %arg7[%get3A_625, %get3A_626] {strides = array<i32>} : memref<512x128xf32, #tpu.memory_space<vmem>>, vector<1x16xf32>,
      %get3A_628 = vector.shape_cast %get3A_627 : vector<1x16xf32> to vector<16xf32>
      %mul3A_629 = arith.constant 64 : i32
      %mul3A_630 = arith.muli %add3A_590, %mul3A_629 : i32
      %add3A_631 = arith.constant 32 : i32
      %add3A_632 = arith.addi %mul3A_630, %add3A_631 : i32
      %swap3A_633 = arith.index_cast %add3A_632 : i32 to index
      %swap3A_634 = tpu.vector_load %arg8[%swap3A_633] {strides = array<i32>} : memref<32768xf32, #tpu.memory_space<vmem>>, vector<16xf32>,
      %swap3A_635 = vector.shape_cast %swap3A_634 : vector<16xf32> to vector<16xf32>
      %swap3A_636 = vector.shape_cast %get3A_628 : vector<16xf32> to vector<16xf32>
      tpu.vector_store %arg8[%swap3A_633], %swap3A_636 {strides = array<i32>} : memref<32768xf32, #tpu.memory_space<vmem>>, vector<16xf32>,
      %add3A_637 = arith.constant 48 : i32
      %add3A_638 = arith.addi %mul3A_594, %add3A_637 : i32
      %get3A_639 = arith.index_cast %add3A_590 : i32 to index
      %get3A_640 = arith.index_cast %add3A_638 : i32 to index
      %get3A_641 = tpu.vector_load %arg7[%get3A_639, %get3A_640] {strides = array<i32>} : memref<512x128xf32, #tpu.memory_space<vmem>>, vector<1x16xf32>,
      %get3A_642 = vector.shape_cast %get3A_641 : vector<1x16xf32> to vector<16xf32>
      %mul3A_643 = arith.constant 64 : i32
      %mul3A_644 = arith.muli %add3A_590, %mul3A_643 : i32
      %add3A_645 = arith.constant 48 : i32
      %add3A_646 = arith.addi %mul3A_644, %add3A_645 : i32
      %swap3A_647 = arith.index_cast %add3A_646 : i32 to index
      %swap3A_648 = tpu.vector_load %arg8[%swap3A_647] {strides = array<i32>} : memref<32768xf32, #tpu.memory_space<vmem>>, vector<16xf32>,
      %swap3A_649 = vector.shape_cast %swap3A_648 : vector<16xf32> to vector<16xf32>
      %swap3A_650 = vector.shape_cast %get3A_642 : vector<16xf32> to vector<16xf32>
      tpu.vector_store %arg8[%swap3A_647], %swap3A_650 {strides = array<i32>} : memref<32768xf32, #tpu.memory_space<vmem>>, vector<16xf32>,
      %mul3A_651 = arith.constant 16 : i32
      %mul3A_652 = arith.muli %scan3A_389, %mul3A_651 : i32
      %add3A_653 = arith.constant 4 : i32
      %add3A_654 = arith.addi %mul3A_652, %add3A_653 : i32
      %slice3A_655 = vector.extract_strided_slice %and3A_396 {offsets = [4], sizes = [1], strides = [1]} : vector<16xi32> to vector<1xi32>
      %squeeze3A_656 = vector.extract %slice3A_655[0] : i32 from vector<1xi32>
      %mul3A_657 = arith.constant 64 : i32
      %mul3A_658 = arith.muli %squeeze3A_656, %mul3A_657 : i32
      %add3A_659 = arith.constant 0 : i32
      %add3A_660 = arith.addi %mul3A_658, %add3A_659 : i32
      %get3A_661 = arith.index_cast %add3A_654 : i32 to index
      %get3A_662 = arith.index_cast %add3A_660 : i32 to index
      %get3A_663 = tpu.vector_load %arg7[%get3A_661, %get3A_662] {strides = array<i32>} : memref<512x128xf32, #tpu.memory_space<vmem>>, vector<1x16xf32>,
      %get3A_664 = vector.shape_cast %get3A_663 : vector<1x16xf32> to vector<16xf32>
      %mul3A_665 = arith.constant 64 : i32
      %mul3A_666 = arith.muli %add3A_654, %mul3A_665 : i32
      %add3A_667 = arith.constant 0 : i32
      %add3A_668 = arith.addi %mul3A_666, %add3A_667 : i32
      %swap3A_669 = arith.index_cast %add3A_668 : i32 to index
      %swap3A_670 = tpu.vector_load %arg8[%swap3A_669] {strides = array<i32>} : memref<32768xf32, #tpu.memory_space<vmem>>, vector<16xf32>,
      %swap3A_671 = vector.shape_cast %swap3A_670 : vector<16xf32> to vector<16xf32>
      %swap3A_672 = vector.shape_cast %get3A_664 : vector<16xf32> to vector<16xf32>
      tpu.vector_store %arg8[%swap3A_669], %swap3A_672 {strides = array<i32>} : memref<32768xf32, #tpu.memory_space<vmem>>, vector<16xf32>,
      %add3A_673 = arith.constant 16 : i32
      %add3A_674 = arith.addi %mul3A_658, %add3A_673 : i32
      %get3A_675 = arith.index_cast %add3A_654 : i32 to index
      %get3A_676 = arith.index_cast %add3A_674 : i32 to index
      %get3A_677 = tpu.vector_load %arg7[%get3A_675, %get3A_676] {strides = array<i32>} : memref<512x128xf32, #tpu.memory_space<vmem>>, vector<1x16xf32>,
      %get3A_678 = vector.shape_cast %get3A_677 : vector<1x16xf32> to vector<16xf32>
      %mul3A_679 = arith.constant 64 : i32
      %mul3A_680 = arith.muli %add3A_654, %mul3A_679 : i32
      %add3A_681 = arith.constant 16 : i32
      %add3A_682 = arith.addi %mul3A_680, %add3A_681 : i32
      %swap3A_683 = arith.index_cast %add3A_682 : i32 to index
      %swap3A_684 = tpu.vector_load %arg8[%swap3A_683] {strides = array<i32>} : memref<32768xf32, #tpu.memory_space<vmem>>, vector<16xf32>,
      %swap3A_685 = vector.shape_cast %swap3A_684 : vector<16xf32> to vector<16xf32>
      %swap3A_686 = vector.shape_cast %get3A_678 : vector<16xf32> to vector<16xf32>
      tpu.vector_store %arg8[%swap3A_683], %swap3A_686 {strides = array<i32>} : memref<32768xf32, #tpu.memory_space<vmem>>, vector<16xf32>,
      %add3A_687 = arith.constant 32 : i32
      %add3A_688 = arith.addi %mul3A_658, %add3A_687 : i32
      %get3A_689 = arith.index_cast %add3A_654 : i32 to index
      %get3A_690 = arith.index_cast %add3A_688 : i32 to index
      %get3A_691 = tpu.vector_load %arg7[%get3A_689, %get3A_690] {strides = array<i32>} : memref<512x128xf32, #tpu.memory_space<vmem>>, vector<1x16xf32>,
      %get3A_692 = vector.shape_cast %get3A_691 : vector<1x16xf32> to vector<16xf32>
      %mul3A_693 = arith.constant 64 : i32
      %mul3A_694 = arith.muli %add3A_654, %mul3A_693 : i32
      %add3A_695 = arith.constant 32 : i32
      %add3A_696 = arith.addi %mul3A_694, %add3A_695 : i32
      %swap3A_697 = arith.index_cast %add3A_696 : i32 to index
      %swap3A_698 = tpu.vector_load %arg8[%swap3A_697] {strides = array<i32>} : memref<32768xf32, #tpu.memory_space<vmem>>, vector<16xf32>,
      %swap3A_699 = vector.shape_cast %swap3A_698 : vector<16xf32> to vector<16xf32>
      %swap3A_700 = vector.shape_cast %get3A_692 : vector<16xf32> to vector<16xf32>
      tpu.vector_store %arg8[%swap3A_697], %swap3A_700 {strides = array<i32>} : memref<32768xf32, #tpu.memory_space<vmem>>, vector<16xf32>,
      %add3A_701 = arith.constant 48 : i32
      %add3A_702 = arith.addi %mul3A_658, %add3A_701 : i32
      %get3A_703 = arith.index_cast %add3A_654 : i32 to index
      %get3A_704 = arith.index_cast %add3A_702 : i32 to index
      %get3A_705 = tpu.vector_load %arg7[%get3A_703, %get3A_704] {strides = array<i32>} : memref<512x128xf32, #tpu.memory_space<vmem>>, vector<1x16xf32>,
      %get3A_706 = vector.shape_cast %get3A_705 : vector<1x16xf32> to vector<16xf32>
      %mul3A_707 = arith.constant 64 : i32
      %mul3A_708 = arith.muli %add3A_654, %mul3A_707 : i32
      %add3A_709 = arith.constant 48 : i32
      %add3A_710 = arith.addi %mul3A_708, %add3A_709 : i32
      %swap3A_711 = arith.index_cast %add3A_710 : i32 to index
      %swap3A_712 = tpu.vector_load %arg8[%swap3A_711] {strides = array<i32>} : memref<32768xf32, #tpu.memory_space<vmem>>, vector<16xf32>,
      %swap3A_713 = vector.shape_cast %swap3A_712 : vector<16xf32> to vector<16xf32>
      %swap3A_714 = vector.shape_cast %get3A_706 : vector<16xf32> to vector<16xf32>
      tpu.vector_store %arg8[%swap3A_711], %swap3A_714 {strides = array<i32>} : memref<32768xf32, #tpu.memory_space<vmem>>, vector<16xf32>,
      %mul3A_715 = arith.constant 16 : i32
      %mul3A_716 = arith.muli %scan3A_389, %mul3A_715 : i32
      %add3A_717 = arith.constant 5 : i32
      %add3A_718 = arith.addi %mul3A_716, %add3A_717 : i32
      %slice3A_719 = vector.extract_strided_slice %and3A_396 {offsets = [5], sizes = [1], strides = [1]} : vector<16xi32> to vector<1xi32>
      %squeeze3A_720 = vector.extract %slice3A_719[0] : i32 from vector<1xi32>
      %mul3A_721 = arith.constant 64 : i32
      %mul3A_722 = arith.muli %squeeze3A_720, %mul3A_721 : i32
      %add3A_723 = arith.constant 0 : i32
      %add3A_724 = arith.addi %mul3A_722, %add3A_723 : i32
      %get3A_725 = arith.index_cast %add3A_718 : i32 to index
      %get3A_726 = arith.index_cast %add3A_724 : i32 to index
      %get3A_727 = tpu.vector_load %arg7[%get3A_725, %get3A_726] {strides = array<i32>} : memref<512x128xf32, #tpu.memory_space<vmem>>, vector<1x16xf32>,
      %get3A_728 = vector.shape_cast %get3A_727 : vector<1x16xf32> to vector<16xf32>
      %mul3A_729 = arith.constant 64 : i32
      %mul3A_730 = arith.muli %add3A_718, %mul3A_729 : i32
      %add3A_731 = arith.constant 0 : i32
      %add3A_732 = arith.addi %mul3A_730, %add3A_731 : i32
      %swap3A_733 = arith.index_cast %add3A_732 : i32 to index
      %swap3A_734 = tpu.vector_load %arg8[%swap3A_733] {strides = array<i32>} : memref<32768xf32, #tpu.memory_space<vmem>>, vector<16xf32>,
      %swap3A_735 = vector.shape_cast %swap3A_734 : vector<16xf32> to vector<16xf32>
      %swap3A_736 = vector.shape_cast %get3A_728 : vector<16xf32> to vector<16xf32>
      tpu.vector_store %arg8[%swap3A_733], %swap3A_736 {strides = array<i32>} : memref<32768xf32, #tpu.memory_space<vmem>>, vector<16xf32>,
      %add3A_737 = arith.constant 16 : i32
      %add3A_738 = arith.addi %mul3A_722, %add3A_737 : i32
      %get3A_739 = arith.index_cast %add3A_718 : i32 to index
      %get3A_740 = arith.index_cast %add3A_738 : i32 to index
      %get3A_741 = tpu.vector_load %arg7[%get3A_739, %get3A_740] {strides = array<i32>} : memref<512x128xf32, #tpu.memory_space<vmem>>, vector<1x16xf32>,
      %get3A_742 = vector.shape_cast %get3A_741 : vector<1x16xf32> to vector<16xf32>
      %mul3A_743 = arith.constant 64 : i32
      %mul3A_744 = arith.muli %add3A_718, %mul3A_743 : i32
      %add3A_745 = arith.constant 16 : i32
      %add3A_746 = arith.addi %mul3A_744, %add3A_745 : i32
      %swap3A_747 = arith.index_cast %add3A_746 : i32 to index
      %swap3A_748 = tpu.vector_load %arg8[%swap3A_747] {strides = array<i32>} : memref<32768xf32, #tpu.memory_space<vmem>>, vector<16xf32>,
      %swap3A_749 = vector.shape_cast %swap3A_748 : vector<16xf32> to vector<16xf32>
      %swap3A_750 = vector.shape_cast %get3A_742 : vector<16xf32> to vector<16xf32>
      tpu.vector_store %arg8[%swap3A_747], %swap3A_750 {strides = array<i32>} : memref<32768xf32, #tpu.memory_space<vmem>>, vector<16xf32>,
      %add3A_751 = arith.constant 32 : i32
      %add3A_752 = arith.addi %mul3A_722, %add3A_751 : i32
      %get3A_753 = arith.index_cast %add3A_718 : i32 to index
      %get3A_754 = arith.index_cast %add3A_752 : i32 to index
      %get3A_755 = tpu.vector_load %arg7[%get3A_753, %get3A_754] {strides = array<i32>} : memref<512x128xf32, #tpu.memory_space<vmem>>, vector<1x16xf32>,
      %get3A_756 = vector.shape_cast %get3A_755 : vector<1x16xf32> to vector<16xf32>
      %mul3A_757 = arith.constant 64 : i32
      %mul3A_758 = arith.muli %add3A_718, %mul3A_757 : i32
      %add3A_759 = arith.constant 32 : i32
      %add3A_760 = arith.addi %mul3A_758, %add3A_759 : i32
      %swap3A_761 = arith.index_cast %add3A_760 : i32 to index
      %swap3A_762 = tpu.vector_load %arg8[%swap3A_761] {strides = array<i32>} : memref<32768xf32, #tpu.memory_space<vmem>>, vector<16xf32>,
      %swap3A_763 = vector.shape_cast %swap3A_762 : vector<16xf32> to vector<16xf32>
      %swap3A_764 = vector.shape_cast %get3A_756 : vector<16xf32> to vector<16xf32>
      tpu.vector_store %arg8[%swap3A_761], %swap3A_764 {strides = array<i32>} : memref<32768xf32, #tpu.memory_space<vmem>>, vector<16xf32>,
      %add3A_765 = arith.constant 48 : i32
      %add3A_766 = arith.addi %mul3A_722, %add3A_765 : i32
      %get3A_767 = arith.index_cast %add3A_718 : i32 to index
      %get3A_768 = arith.index_cast %add3A_766 : i32 to index
      %get3A_769 = tpu.vector_load %arg7[%get3A_767, %get3A_768] {strides = array<i32>} : memref<512x128xf32, #tpu.memory_space<vmem>>, vector<1x16xf32>,
      %get3A_770 = vector.shape_cast %get3A_769 : vector<1x16xf32> to vector<16xf32>
      %mul3A_771 = arith.constant 64 : i32
      %mul3A_772 = arith.muli %add3A_718, %mul3A_771 : i32
      %add3A_773 = arith.constant 48 : i32
      %add3A_774 = arith.addi %mul3A_772, %add3A_773 : i32
      %swap3A_775 = arith.index_cast %add3A_774 : i32 to index
      %swap3A_776 = tpu.vector_load %arg8[%swap3A_775] {strides = array<i32>} : memref<32768xf32, #tpu.memory_space<vmem>>, vector<16xf32>,
      %swap3A_777 = vector.shape_cast %swap3A_776 : vector<16xf32> to vector<16xf32>
      %swap3A_778 = vector.shape_cast %get3A_770 : vector<16xf32> to vector<16xf32>
      tpu.vector_store %arg8[%swap3A_775], %swap3A_778 {strides = array<i32>} : memref<32768xf32, #tpu.memory_space<vmem>>, vector<16xf32>,
      %mul3A_779 = arith.constant 16 : i32
      %mul3A_780 = arith.muli %scan3A_389, %mul3A_779 : i32
      %add3A_781 = arith.constant 6 : i32
      %add3A_782 = arith.addi %mul3A_780, %add3A_781 : i32
      %slice3A_783 = vector.extract_strided_slice %and3A_396 {offsets = [6], sizes = [1], strides = [1]} : vector<16xi32> to vector<1xi32>
      %squeeze3A_784 = vector.extract %slice3A_783[0] : i32 from vector<1xi32>
      %mul3A_785 = arith.constant 64 : i32
      %mul3A_786 = arith.muli %squeeze3A_784, %mul3A_785 : i32
      %add3A_787 = arith.constant 0 : i32
      %add3A_788 = arith.addi %mul3A_786, %add3A_787 : i32
      %get3A_789 = arith.index_cast %add3A_782 : i32 to index
      %get3A_790 = arith.index_cast %add3A_788 : i32 to index
      %get3A_791 = tpu.vector_load %arg7[%get3A_789, %get3A_790] {strides = array<i32>} : memref<512x128xf32, #tpu.memory_space<vmem>>, vector<1x16xf32>,
      %get3A_792 = vector.shape_cast %get3A_791 : vector<1x16xf32> to vector<16xf32>
      %mul3A_793 = arith.constant 64 : i32
      %mul3A_794 = arith.muli %add3A_782, %mul3A_793 : i32
      %add3A_795 = arith.constant 0 : i32
      %add3A_796 = arith.addi %mul3A_794, %add3A_795 : i32
      %swap3A_797 = arith.index_cast %add3A_796 : i32 to index
      %swap3A_798 = tpu.vector_load %arg8[%swap3A_797] {strides = array<i32>} : memref<32768xf32, #tpu.memory_space<vmem>>, vector<16xf32>,
      %swap3A_799 = vector.shape_cast %swap3A_798 : vector<16xf32> to vector<16xf32>
      %swap3A_800 = vector.shape_cast %get3A_792 : vector<16xf32> to vector<16xf32>
      tpu.vector_store %arg8[%swap3A_797], %swap3A_800 {strides = array<i32>} : memref<32768xf32, #tpu.memory_space<vmem>>, vector<16xf32>,
      %add3A_801 = arith.constant 16 : i32
      %add3A_802 = arith.addi %mul3A_786, %add3A_801 : i32
      %get3A_803 = arith.index_cast %add3A_782 : i32 to index
      %get3A_804 = arith.index_cast %add3A_802 : i32 to index
      %get3A_805 = tpu.vector_load %arg7[%get3A_803, %get3A_804] {strides = array<i32>} : memref<512x128xf32, #tpu.memory_space<vmem>>, vector<1x16xf32>,
      %get3A_806 = vector.shape_cast %get3A_805 : vector<1x16xf32> to vector<16xf32>
      %mul3A_807 = arith.constant 64 : i32
      %mul3A_808 = arith.muli %add3A_782, %mul3A_807 : i32
      %add3A_809 = arith.constant 16 : i32
      %add3A_810 = arith.addi %mul3A_808, %add3A_809 : i32
      %swap3A_811 = arith.index_cast %add3A_810 : i32 to index
      %swap3A_812 = tpu.vector_load %arg8[%swap3A_811] {strides = array<i32>} : memref<32768xf32, #tpu.memory_space<vmem>>, vector<16xf32>,
      %swap3A_813 = vector.shape_cast %swap3A_812 : vector<16xf32> to vector<16xf32>
      %swap3A_814 = vector.shape_cast %get3A_806 : vector<16xf32> to vector<16xf32>
      tpu.vector_store %arg8[%swap3A_811], %swap3A_814 {strides = array<i32>} : memref<32768xf32, #tpu.memory_space<vmem>>, vector<16xf32>,
      %add3A_815 = arith.constant 32 : i32
      %add3A_816 = arith.addi %mul3A_786, %add3A_815 : i32
      %get3A_817 = arith.index_cast %add3A_782 : i32 to index
      %get3A_818 = arith.index_cast %add3A_816 : i32 to index
      %get3A_819 = tpu.vector_load %arg7[%get3A_817, %get3A_818] {strides = array<i32>} : memref<512x128xf32, #tpu.memory_space<vmem>>, vector<1x16xf32>,
      %get3A_820 = vector.shape_cast %get3A_819 : vector<1x16xf32> to vector<16xf32>
      %mul3A_821 = arith.constant 64 : i32
      %mul3A_822 = arith.muli %add3A_782, %mul3A_821 : i32
      %add3A_823 = arith.constant 32 : i32
      %add3A_824 = arith.addi %mul3A_822, %add3A_823 : i32
      %swap3A_825 = arith.index_cast %add3A_824 : i32 to index
      %swap3A_826 = tpu.vector_load %arg8[%swap3A_825] {strides = array<i32>} : memref<32768xf32, #tpu.memory_space<vmem>>, vector<16xf32>,
      %swap3A_827 = vector.shape_cast %swap3A_826 : vector<16xf32> to vector<16xf32>
      %swap3A_828 = vector.shape_cast %get3A_820 : vector<16xf32> to vector<16xf32>
      tpu.vector_store %arg8[%swap3A_825], %swap3A_828 {strides = array<i32>} : memref<32768xf32, #tpu.memory_space<vmem>>, vector<16xf32>,
      %add3A_829 = arith.constant 48 : i32
      %add3A_830 = arith.addi %mul3A_786, %add3A_829 : i32
      %get3A_831 = arith.index_cast %add3A_782 : i32 to index
      %get3A_832 = arith.index_cast %add3A_830 : i32 to index
      %get3A_833 = tpu.vector_load %arg7[%get3A_831, %get3A_832] {strides = array<i32>} : memref<512x128xf32, #tpu.memory_space<vmem>>, vector<1x16xf32>,
      %get3A_834 = vector.shape_cast %get3A_833 : vector<1x16xf32> to vector<16xf32>
      %mul3A_835 = arith.constant 64 : i32
      %mul3A_836 = arith.muli %add3A_782, %mul3A_835 : i32
      %add3A_837 = arith.constant 48 : i32
      %add3A_838 = arith.addi %mul3A_836, %add3A_837 : i32
      %swap3A_839 = arith.index_cast %add3A_838 : i32 to index
      %swap3A_840 = tpu.vector_load %arg8[%swap3A_839] {strides = array<i32>} : memref<32768xf32, #tpu.memory_space<vmem>>, vector<16xf32>,
      %swap3A_841 = vector.shape_cast %swap3A_840 : vector<16xf32> to vector<16xf32>
      %swap3A_842 = vector.shape_cast %get3A_834 : vector<16xf32> to vector<16xf32>
      tpu.vector_store %arg8[%swap3A_839], %swap3A_842 {strides = array<i32>} : memref<32768xf32, #tpu.memory_space<vmem>>, vector<16xf32>,
      %mul3A_843 = arith.constant 16 : i32
      %mul3A_844 = arith.muli %scan3A_389, %mul3A_843 : i32
      %add3A_845 = arith.constant 7 : i32
      %add3A_846 = arith.addi %mul3A_844, %add3A_845 : i32
      %slice3A_847 = vector.extract_strided_slice %and3A_396 {offsets = [7], sizes = [1], strides = [1]} : vector<16xi32> to vector<1xi32>
      %squeeze3A_848 = vector.extract %slice3A_847[0] : i32 from vector<1xi32>
      %mul3A_849 = arith.constant 64 : i32
      %mul3A_850 = arith.muli %squeeze3A_848, %mul3A_849 : i32
      %add3A_851 = arith.constant 0 : i32
      %add3A_852 = arith.addi %mul3A_850, %add3A_851 : i32
      %get3A_853 = arith.index_cast %add3A_846 : i32 to index
      %get3A_854 = arith.index_cast %add3A_852 : i32 to index
      %get3A_855 = tpu.vector_load %arg7[%get3A_853, %get3A_854] {strides = array<i32>} : memref<512x128xf32, #tpu.memory_space<vmem>>, vector<1x16xf32>,
      %get3A_856 = vector.shape_cast %get3A_855 : vector<1x16xf32> to vector<16xf32>
      %mul3A_857 = arith.constant 64 : i32
      %mul3A_858 = arith.muli %add3A_846, %mul3A_857 : i32
      %add3A_859 = arith.constant 0 : i32
      %add3A_860 = arith.addi %mul3A_858, %add3A_859 : i32
      %swap3A_861 = arith.index_cast %add3A_860 : i32 to index
      %swap3A_862 = tpu.vector_load %arg8[%swap3A_861] {strides = array<i32>} : memref<32768xf32, #tpu.memory_space<vmem>>, vector<16xf32>,
      %swap3A_863 = vector.shape_cast %swap3A_862 : vector<16xf32> to vector<16xf32>
      %swap3A_864 = vector.shape_cast %get3A_856 : vector<16xf32> to vector<16xf32>
      tpu.vector_store %arg8[%swap3A_861], %swap3A_864 {strides = array<i32>} : memref<32768xf32, #tpu.memory_space<vmem>>, vector<16xf32>,
      %add3A_865 = arith.constant 16 : i32
      %add3A_866 = arith.addi %mul3A_850, %add3A_865 : i32
      %get3A_867 = arith.index_cast %add3A_846 : i32 to index
      %get3A_868 = arith.index_cast %add3A_866 : i32 to index
      %get3A_869 = tpu.vector_load %arg7[%get3A_867, %get3A_868] {strides = array<i32>} : memref<512x128xf32, #tpu.memory_space<vmem>>, vector<1x16xf32>,
      %get3A_870 = vector.shape_cast %get3A_869 : vector<1x16xf32> to vector<16xf32>
      %mul3A_871 = arith.constant 64 : i32
      %mul3A_872 = arith.muli %add3A_846, %mul3A_871 : i32
      %add3A_873 = arith.constant 16 : i32
      %add3A_874 = arith.addi %mul3A_872, %add3A_873 : i32
      %swap3A_875 = arith.index_cast %add3A_874 : i32 to index
      %swap3A_876 = tpu.vector_load %arg8[%swap3A_875] {strides = array<i32>} : memref<32768xf32, #tpu.memory_space<vmem>>, vector<16xf32>,
      %swap3A_877 = vector.shape_cast %swap3A_876 : vector<16xf32> to vector<16xf32>
      %swap3A_878 = vector.shape_cast %get3A_870 : vector<16xf32> to vector<16xf32>
      tpu.vector_store %arg8[%swap3A_875], %swap3A_878 {strides = array<i32>} : memref<32768xf32, #tpu.memory_space<vmem>>, vector<16xf32>,
      %add3A_879 = arith.constant 32 : i32
      %add3A_880 = arith.addi %mul3A_850, %add3A_879 : i32
      %get3A_881 = arith.index_cast %add3A_846 : i32 to index
      %get3A_882 = arith.index_cast %add3A_880 : i32 to index
      %get3A_883 = tpu.vector_load %arg7[%get3A_881, %get3A_882] {strides = array<i32>} : memref<512x128xf32, #tpu.memory_space<vmem>>, vector<1x16xf32>,
      %get3A_884 = vector.shape_cast %get3A_883 : vector<1x16xf32> to vector<16xf32>
      %mul3A_885 = arith.constant 64 : i32
      %mul3A_886 = arith.muli %add3A_846, %mul3A_885 : i32
      %add3A_887 = arith.constant 32 : i32
      %add3A_888 = arith.addi %mul3A_886, %add3A_887 : i32
      %swap3A_889 = arith.index_cast %add3A_888 : i32 to index
      %swap3A_890 = tpu.vector_load %arg8[%swap3A_889] {strides = array<i32>} : memref<32768xf32, #tpu.memory_space<vmem>>, vector<16xf32>,
      %swap3A_891 = vector.shape_cast %swap3A_890 : vector<16xf32> to vector<16xf32>
      %swap3A_892 = vector.shape_cast %get3A_884 : vector<16xf32> to vector<16xf32>
      tpu.vector_store %arg8[%swap3A_889], %swap3A_892 {strides = array<i32>} : memref<32768xf32, #tpu.memory_space<vmem>>, vector<16xf32>,
      %add3A_893 = arith.constant 48 : i32
      %add3A_894 = arith.addi %mul3A_850, %add3A_893 : i32
      %get3A_895 = arith.index_cast %add3A_846 : i32 to index
      %get3A_896 = arith.index_cast %add3A_894 : i32 to index
      %get3A_897 = tpu.vector_load %arg7[%get3A_895, %get3A_896] {strides = array<i32>} : memref<512x128xf32, #tpu.memory_space<vmem>>, vector<1x16xf32>,
      %get3A_898 = vector.shape_cast %get3A_897 : vector<1x16xf32> to vector<16xf32>
      %mul3A_899 = arith.constant 64 : i32
      %mul3A_900 = arith.muli %add3A_846, %mul3A_899 : i32
      %add3A_901 = arith.constant 48 : i32
      %add3A_902 = arith.addi %mul3A_900, %add3A_901 : i32
      %swap3A_903 = arith.index_cast %add3A_902 : i32 to index
      %swap3A_904 = tpu.vector_load %arg8[%swap3A_903] {strides = array<i32>} : memref<32768xf32, #tpu.memory_space<vmem>>, vector<16xf32>,
      %swap3A_905 = vector.shape_cast %swap3A_904 : vector<16xf32> to vector<16xf32>
      %swap3A_906 = vector.shape_cast %get3A_898 : vector<16xf32> to vector<16xf32>
      tpu.vector_store %arg8[%swap3A_903], %swap3A_906 {strides = array<i32>} : memref<32768xf32, #tpu.memory_space<vmem>>, vector<16xf32>,
      %mul3A_907 = arith.constant 16 : i32
      %mul3A_908 = arith.muli %scan3A_389, %mul3A_907 : i32
      %add3A_909 = arith.constant 8 : i32
      %add3A_910 = arith.addi %mul3A_908, %add3A_909 : i32
      %slice3A_911 = vector.extract_strided_slice %and3A_396 {offsets = [8], sizes = [1], strides = [1]} : vector<16xi32> to vector<1xi32>
      %squeeze3A_912 = vector.extract %slice3A_911[0] : i32 from vector<1xi32>
      %mul3A_913 = arith.constant 64 : i32
      %mul3A_914 = arith.muli %squeeze3A_912, %mul3A_913 : i32
      %add3A_915 = arith.constant 0 : i32
      %add3A_916 = arith.addi %mul3A_914, %add3A_915 : i32
      %get3A_917 = arith.index_cast %add3A_910 : i32 to index
      %get3A_918 = arith.index_cast %add3A_916 : i32 to index
      %get3A_919 = tpu.vector_load %arg7[%get3A_917, %get3A_918] {strides = array<i32>} : memref<512x128xf32, #tpu.memory_space<vmem>>, vector<1x16xf32>,
      %get3A_920 = vector.shape_cast %get3A_919 : vector<1x16xf32> to vector<16xf32>
      %mul3A_921 = arith.constant 64 : i32
      %mul3A_922 = arith.muli %add3A_910, %mul3A_921 : i32
      %add3A_923 = arith.constant 0 : i32
      %add3A_924 = arith.addi %mul3A_922, %add3A_923 : i32
      %swap3A_925 = arith.index_cast %add3A_924 : i32 to index
      %swap3A_926 = tpu.vector_load %arg8[%swap3A_925] {strides = array<i32>} : memref<32768xf32, #tpu.memory_space<vmem>>, vector<16xf32>,
      %swap3A_927 = vector.shape_cast %swap3A_926 : vector<16xf32> to vector<16xf32>
      %swap3A_928 = vector.shape_cast %get3A_920 : vector<16xf32> to vector<16xf32>
      tpu.vector_store %arg8[%swap3A_925], %swap3A_928 {strides = array<i32>} : memref<32768xf32, #tpu.memory_space<vmem>>, vector<16xf32>,
      %add3A_929 = arith.constant 16 : i32
      %add3A_930 = arith.addi %mul3A_914, %add3A_929 : i32
      %get3A_931 = arith.index_cast %add3A_910 : i32 to index
      %get3A_932 = arith.index_cast %add3A_930 : i32 to index
      %get3A_933 = tpu.vector_load %arg7[%get3A_931, %get3A_932] {strides = array<i32>} : memref<512x128xf32, #tpu.memory_space<vmem>>, vector<1x16xf32>,
      %get3A_934 = vector.shape_cast %get3A_933 : vector<1x16xf32> to vector<16xf32>
      %mul3A_935 = arith.constant 64 : i32
      %mul3A_936 = arith.muli %add3A_910, %mul3A_935 : i32
      %add3A_937 = arith.constant 16 : i32
      %add3A_938 = arith.addi %mul3A_936, %add3A_937 : i32
      %swap3A_939 = arith.index_cast %add3A_938 : i32 to index
      %swap3A_940 = tpu.vector_load %arg8[%swap3A_939] {strides = array<i32>} : memref<32768xf32, #tpu.memory_space<vmem>>, vector<16xf32>,
      %swap3A_941 = vector.shape_cast %swap3A_940 : vector<16xf32> to vector<16xf32>
      %swap3A_942 = vector.shape_cast %get3A_934 : vector<16xf32> to vector<16xf32>
      tpu.vector_store %arg8[%swap3A_939], %swap3A_942 {strides = array<i32>} : memref<32768xf32, #tpu.memory_space<vmem>>, vector<16xf32>,
      %add3A_943 = arith.constant 32 : i32
      %add3A_944 = arith.addi %mul3A_914, %add3A_943 : i32
      %get3A_945 = arith.index_cast %add3A_910 : i32 to index
      %get3A_946 = arith.index_cast %add3A_944 : i32 to index
      %get3A_947 = tpu.vector_load %arg7[%get3A_945, %get3A_946] {strides = array<i32>} : memref<512x128xf32, #tpu.memory_space<vmem>>, vector<1x16xf32>,
      %get3A_948 = vector.shape_cast %get3A_947 : vector<1x16xf32> to vector<16xf32>
      %mul3A_949 = arith.constant 64 : i32
      %mul3A_950 = arith.muli %add3A_910, %mul3A_949 : i32
      %add3A_951 = arith.constant 32 : i32
      %add3A_952 = arith.addi %mul3A_950, %add3A_951 : i32
      %swap3A_953 = arith.index_cast %add3A_952 : i32 to index
      %swap3A_954 = tpu.vector_load %arg8[%swap3A_953] {strides = array<i32>} : memref<32768xf32, #tpu.memory_space<vmem>>, vector<16xf32>,
      %swap3A_955 = vector.shape_cast %swap3A_954 : vector<16xf32> to vector<16xf32>
      %swap3A_956 = vector.shape_cast %get3A_948 : vector<16xf32> to vector<16xf32>
      tpu.vector_store %arg8[%swap3A_953], %swap3A_956 {strides = array<i32>} : memref<32768xf32, #tpu.memory_space<vmem>>, vector<16xf32>,
      %add3A_957 = arith.constant 48 : i32
      %add3A_958 = arith.addi %mul3A_914, %add3A_957 : i32
      %get3A_959 = arith.index_cast %add3A_910 : i32 to index
      %get3A_960 = arith.index_cast %add3A_958 : i32 to index
      %get3A_961 = tpu.vector_load %arg7[%get3A_959, %get3A_960] {strides = array<i32>} : memref<512x128xf32, #tpu.memory_space<vmem>>, vector<1x16xf32>,
      %get3A_962 = vector.shape_cast %get3A_961 : vector<1x16xf32> to vector<16xf32>
      %mul3A_963 = arith.constant 64 : i32
      %mul3A_964 = arith.muli %add3A_910, %mul3A_963 : i32
      %add3A_965 = arith.constant 48 : i32
      %add3A_966 = arith.addi %mul3A_964, %add3A_965 : i32
      %swap3A_967 = arith.index_cast %add3A_966 : i32 to index
      %swap3A_968 = tpu.vector_load %arg8[%swap3A_967] {strides = array<i32>} : memref<32768xf32, #tpu.memory_space<vmem>>, vector<16xf32>,
      %swap3A_969 = vector.shape_cast %swap3A_968 : vector<16xf32> to vector<16xf32>
      %swap3A_970 = vector.shape_cast %get3A_962 : vector<16xf32> to vector<16xf32>
      tpu.vector_store %arg8[%swap3A_967], %swap3A_970 {strides = array<i32>} : memref<32768xf32, #tpu.memory_space<vmem>>, vector<16xf32>,
      %mul3A_971 = arith.constant 16 : i32
      %mul3A_972 = arith.muli %scan3A_389, %mul3A_971 : i32
      %add3A_973 = arith.constant 9 : i32
      %add3A_974 = arith.addi %mul3A_972, %add3A_973 : i32
      %slice3A_975 = vector.extract_strided_slice %and3A_396 {offsets = [9], sizes = [1], strides = [1]} : vector<16xi32> to vector<1xi32>
      %squeeze3A_976 = vector.extract %slice3A_975[0] : i32 from vector<1xi32>
      %mul3A_977 = arith.constant 64 : i32
      %mul3A_978 = arith.muli %squeeze3A_976, %mul3A_977 : i32
      %add3A_979 = arith.constant 0 : i32
      %add3A_980 = arith.addi %mul3A_978, %add3A_979 : i32
      %get3A_981 = arith.index_cast %add3A_974 : i32 to index
      %get3A_982 = arith.index_cast %add3A_980 : i32 to index
      %get3A_983 = tpu.vector_load %arg7[%get3A_981, %get3A_982] {strides = array<i32>} : memref<512x128xf32, #tpu.memory_space<vmem>>, vector<1x16xf32>,
      %get3A_984 = vector.shape_cast %get3A_983 : vector<1x16xf32> to vector<16xf32>
      %mul3A_985 = arith.constant 64 : i32
      %mul3A_986 = arith.muli %add3A_974, %mul3A_985 : i32
      %add3A_987 = arith.constant 0 : i32
      %add3A_988 = arith.addi %mul3A_986, %add3A_987 : i32
      %swap3A_989 = arith.index_cast %add3A_988 : i32 to index
      %swap3A_990 = tpu.vector_load %arg8[%swap3A_989] {strides = array<i32>} : memref<32768xf32, #tpu.memory_space<vmem>>, vector<16xf32>,
      %swap3A_991 = vector.shape_cast %swap3A_990 : vector<16xf32> to vector<16xf32>
      %swap3A_992 = vector.shape_cast %get3A_984 : vector<16xf32> to vector<16xf32>
      tpu.vector_store %arg8[%swap3A_989], %swap3A_992 {strides = array<i32>} : memref<32768xf32, #tpu.memory_space<vmem>>, vector<16xf32>,
      %add3A_993 = arith.constant 16 : i32
      %add3A_994 = arith.addi %mul3A_978, %add3A_993 : i32
      %get3A_995 = arith.index_cast %add3A_974 : i32 to index
      %get3A_996 = arith.index_cast %add3A_994 : i32 to index
      %get3A_997 = tpu.vector_load %arg7[%get3A_995, %get3A_996] {strides = array<i32>} : memref<512x128xf32, #tpu.memory_space<vmem>>, vector<1x16xf32>,
      %get3A_998 = vector.shape_cast %get3A_997 : vector<1x16xf32> to vector<16xf32>
      %mul3A_999 = arith.constant 64 : i32
      %mul3A_1000 = arith.muli %add3A_974, %mul3A_999 : i32
      %add3A_1001 = arith.constant 16 : i32
      %add3A_1002 = arith.addi %mul3A_1000, %add3A_1001 : i32
      %swap3A_1003 = arith.index_cast %add3A_1002 : i32 to index
      %swap3A_1004 = tpu.vector_load %arg8[%swap3A_1003] {strides = array<i32>} : memref<32768xf32, #tpu.memory_space<vmem>>, vector<16xf32>,
      %swap3A_1005 = vector.shape_cast %swap3A_1004 : vector<16xf32> to vector<16xf32>
      %swap3A_1006 = vector.shape_cast %get3A_998 : vector<16xf32> to vector<16xf32>
      tpu.vector_store %arg8[%swap3A_1003], %swap3A_1006 {strides = array<i32>} : memref<32768xf32, #tpu.memory_space<vmem>>, vector<16xf32>,
      %add3A_1007 = arith.constant 32 : i32
      %add3A_1008 = arith.addi %mul3A_978, %add3A_1007 : i32
      %get3A_1009 = arith.index_cast %add3A_974 : i32 to index
      %get3A_1010 = arith.index_cast %add3A_1008 : i32 to index
      %get3A_1011 = tpu.vector_load %arg7[%get3A_1009, %get3A_1010] {strides = array<i32>} : memref<512x128xf32, #tpu.memory_space<vmem>>, vector<1x16xf32>,
      %get3A_1012 = vector.shape_cast %get3A_1011 : vector<1x16xf32> to vector<16xf32>
      %mul3A_1013 = arith.constant 64 : i32
      %mul3A_1014 = arith.muli %add3A_974, %mul3A_1013 : i32
      %add3A_1015 = arith.constant 32 : i32
      %add3A_1016 = arith.addi %mul3A_1014, %add3A_1015 : i32
      %swap3A_1017 = arith.index_cast %add3A_1016 : i32 to index
      %swap3A_1018 = tpu.vector_load %arg8[%swap3A_1017] {strides = array<i32>} : memref<32768xf32, #tpu.memory_space<vmem>>, vector<16xf32>,
      %swap3A_1019 = vector.shape_cast %swap3A_1018 : vector<16xf32> to vector<16xf32>
      %swap3A_1020 = vector.shape_cast %get3A_1012 : vector<16xf32> to vector<16xf32>
      tpu.vector_store %arg8[%swap3A_1017], %swap3A_1020 {strides = array<i32>} : memref<32768xf32, #tpu.memory_space<vmem>>, vector<16xf32>,
      %add3A_1021 = arith.constant 48 : i32
      %add3A_1022 = arith.addi %mul3A_978, %add3A_1021 : i32
      %get3A_1023 = arith.index_cast %add3A_974 : i32 to index
      %get3A_1024 = arith.index_cast %add3A_1022 : i32 to index
      %get3A_1025 = tpu.vector_load %arg7[%get3A_1023, %get3A_1024] {strides = array<i32>} : memref<512x128xf32, #tpu.memory_space<vmem>>, vector<1x16xf32>,
      %get3A_1026 = vector.shape_cast %get3A_1025 : vector<1x16xf32> to vector<16xf32>
      %mul3A_1027 = arith.constant 64 : i32
      %mul3A_1028 = arith.muli %add3A_974, %mul3A_1027 : i32
      %add3A_1029 = arith.constant 48 : i32
      %add3A_1030 = arith.addi %mul3A_1028, %add3A_1029 : i32
      %swap3A_1031 = arith.index_cast %add3A_1030 : i32 to index
      %swap3A_1032 = tpu.vector_load %arg8[%swap3A_1031] {strides = array<i32>} : memref<32768xf32, #tpu.memory_space<vmem>>, vector<16xf32>,
      %swap3A_1033 = vector.shape_cast %swap3A_1032 : vector<16xf32> to vector<16xf32>
      %swap3A_1034 = vector.shape_cast %get3A_1026 : vector<16xf32> to vector<16xf32>
      tpu.vector_store %arg8[%swap3A_1031], %swap3A_1034 {strides = array<i32>} : memref<32768xf32, #tpu.memory_space<vmem>>, vector<16xf32>,
      %mul3A_1035 = arith.constant 16 : i32
      %mul3A_1036 = arith.muli %scan3A_389, %mul3A_1035 : i32
      %add3A_1037 = arith.constant 10 : i32
      %add3A_1038 = arith.addi %mul3A_1036, %add3A_1037 : i32
      %slice3A_1039 = vector.extract_strided_slice %and3A_396 {offsets = [10], sizes = [1], strides = [1]} : vector<16xi32> to vector<1xi32>
      %squeeze3A_1040 = vector.extract %slice3A_1039[0] : i32 from vector<1xi32>
      %mul3A_1041 = arith.constant 64 : i32
      %mul3A_1042 = arith.muli %squeeze3A_1040, %mul3A_1041 : i32
      %add3A_1043 = arith.constant 0 : i32
      %add3A_1044 = arith.addi %mul3A_1042, %add3A_1043 : i32
      %get3A_1045 = arith.index_cast %add3A_1038 : i32 to index
      %get3A_1046 = arith.index_cast %add3A_1044 : i32 to index
      %get3A_1047 = tpu.vector_load %arg7[%get3A_1045, %get3A_1046] {strides = array<i32>} : memref<512x128xf32, #tpu.memory_space<vmem>>, vector<1x16xf32>,
      %get3A_1048 = vector.shape_cast %get3A_1047 : vector<1x16xf32> to vector<16xf32>
      %mul3A_1049 = arith.constant 64 : i32
      %mul3A_1050 = arith.muli %add3A_1038, %mul3A_1049 : i32
      %add3A_1051 = arith.constant 0 : i32
      %add3A_1052 = arith.addi %mul3A_1050, %add3A_1051 : i32
      %swap3A_1053 = arith.index_cast %add3A_1052 : i32 to index
      %swap3A_1054 = tpu.vector_load %arg8[%swap3A_1053] {strides = array<i32>} : memref<32768xf32, #tpu.memory_space<vmem>>, vector<16xf32>,
      %swap3A_1055 = vector.shape_cast %swap3A_1054 : vector<16xf32> to vector<16xf32>
      %swap3A_1056 = vector.shape_cast %get3A_1048 : vector<16xf32> to vector<16xf32>
      tpu.vector_store %arg8[%swap3A_1053], %swap3A_1056 {strides = array<i32>} : memref<32768xf32, #tpu.memory_space<vmem>>, vector<16xf32>,
      %add3A_1057 = arith.constant 16 : i32
      %add3A_1058 = arith.addi %mul3A_1042, %add3A_1057 : i32
      %get3A_1059 = arith.index_cast %add3A_1038 : i32 to index
      %get3A_1060 = arith.index_cast %add3A_1058 : i32 to index
      %get3A_1061 = tpu.vector_load %arg7[%get3A_1059, %get3A_1060] {strides = array<i32>} : memref<512x128xf32, #tpu.memory_space<vmem>>, vector<1x16xf32>,
      %get3A_1062 = vector.shape_cast %get3A_1061 : vector<1x16xf32> to vector<16xf32>
      %mul3A_1063 = arith.constant 64 : i32
      %mul3A_1064 = arith.muli %add3A_1038, %mul3A_1063 : i32
      %add3A_1065 = arith.constant 16 : i32
      %add3A_1066 = arith.addi %mul3A_1064, %add3A_1065 : i32
      %swap3A_1067 = arith.index_cast %add3A_1066 : i32 to index
      %swap3A_1068 = tpu.vector_load %arg8[%swap3A_1067] {strides = array<i32>} : memref<32768xf32, #tpu.memory_space<vmem>>, vector<16xf32>,
      %swap3A_1069 = vector.shape_cast %swap3A_1068 : vector<16xf32> to vector<16xf32>
      %swap3A_1070 = vector.shape_cast %get3A_1062 : vector<16xf32> to vector<16xf32>
      tpu.vector_store %arg8[%swap3A_1067], %swap3A_1070 {strides = array<i32>} : memref<32768xf32, #tpu.memory_space<vmem>>, vector<16xf32>,
      %add3A_1071 = arith.constant 32 : i32
      %add3A_1072 = arith.addi %mul3A_1042, %add3A_1071 : i32
      %get3A_1073 = arith.index_cast %add3A_1038 : i32 to index
      %get3A_1074 = arith.index_cast %add3A_1072 : i32 to index
      %get3A_1075 = tpu.vector_load %arg7[%get3A_1073, %get3A_1074] {strides = array<i32>} : memref<512x128xf32, #tpu.memory_space<vmem>>, vector<1x16xf32>,
      %get3A_1076 = vector.shape_cast %get3A_1075 : vector<1x16xf32> to vector<16xf32>
      %mul3A_1077 = arith.constant 64 : i32
      %mul3A_1078 = arith.muli %add3A_1038, %mul3A_1077 : i32
      %add3A_1079 = arith.constant 32 : i32
      %add3A_1080 = arith.addi %mul3A_1078, %add3A_1079 : i32
      %swap3A_1081 = arith.index_cast %add3A_1080 : i32 to index
      %swap3A_1082 = tpu.vector_load %arg8[%swap3A_1081] {strides = array<i32>} : memref<32768xf32, #tpu.memory_space<vmem>>, vector<16xf32>,
      %swap3A_1083 = vector.shape_cast %swap3A_1082 : vector<16xf32> to vector<16xf32>
      %swap3A_1084 = vector.shape_cast %get3A_1076 : vector<16xf32> to vector<16xf32>
      tpu.vector_store %arg8[%swap3A_1081], %swap3A_1084 {strides = array<i32>} : memref<32768xf32, #tpu.memory_space<vmem>>, vector<16xf32>,
      %add3A_1085 = arith.constant 48 : i32
      %add3A_1086 = arith.addi %mul3A_1042, %add3A_1085 : i32
      %get3A_1087 = arith.index_cast %add3A_1038 : i32 to index
      %get3A_1088 = arith.index_cast %add3A_1086 : i32 to index
      %get3A_1089 = tpu.vector_load %arg7[%get3A_1087, %get3A_1088] {strides = array<i32>} : memref<512x128xf32, #tpu.memory_space<vmem>>, vector<1x16xf32>,
      %get3A_1090 = vector.shape_cast %get3A_1089 : vector<1x16xf32> to vector<16xf32>
      %mul3A_1091 = arith.constant 64 : i32
      %mul3A_1092 = arith.muli %add3A_1038, %mul3A_1091 : i32
      %add3A_1093 = arith.constant 48 : i32
      %add3A_1094 = arith.addi %mul3A_1092, %add3A_1093 : i32
      %swap3A_1095 = arith.index_cast %add3A_1094 : i32 to index
      %swap3A_1096 = tpu.vector_load %arg8[%swap3A_1095] {strides = array<i32>} : memref<32768xf32, #tpu.memory_space<vmem>>, vector<16xf32>,
      %swap3A_1097 = vector.shape_cast %swap3A_1096 : vector<16xf32> to vector<16xf32>
      %swap3A_1098 = vector.shape_cast %get3A_1090 : vector<16xf32> to vector<16xf32>
      tpu.vector_store %arg8[%swap3A_1095], %swap3A_1098 {strides = array<i32>} : memref<32768xf32, #tpu.memory_space<vmem>>, vector<16xf32>,
      %mul3A_1099 = arith.constant 16 : i32
      %mul3A_1100 = arith.muli %scan3A_389, %mul3A_1099 : i32
      %add3A_1101 = arith.constant 11 : i32
      %add3A_1102 = arith.addi %mul3A_1100, %add3A_1101 : i32
      %slice3A_1103 = vector.extract_strided_slice %and3A_396 {offsets = [11], sizes = [1], strides = [1]} : vector<16xi32> to vector<1xi32>
      %squeeze3A_1104 = vector.extract %slice3A_1103[0] : i32 from vector<1xi32>
      %mul3A_1105 = arith.constant 64 : i32
      %mul3A_1106 = arith.muli %squeeze3A_1104, %mul3A_1105 : i32
      %add3A_1107 = arith.constant 0 : i32
      %add3A_1108 = arith.addi %mul3A_1106, %add3A_1107 : i32
      %get3A_1109 = arith.index_cast %add3A_1102 : i32 to index
      %get3A_1110 = arith.index_cast %add3A_1108 : i32 to index
      %get3A_1111 = tpu.vector_load %arg7[%get3A_1109, %get3A_1110] {strides = array<i32>} : memref<512x128xf32, #tpu.memory_space<vmem>>, vector<1x16xf32>,
      %get3A_1112 = vector.shape_cast %get3A_1111 : vector<1x16xf32> to vector<16xf32>
      %mul3A_1113 = arith.constant 64 : i32
      %mul3A_1114 = arith.muli %add3A_1102, %mul3A_1113 : i32
      %add3A_1115 = arith.constant 0 : i32
      %add3A_1116 = arith.addi %mul3A_1114, %add3A_1115 : i32
      %swap3A_1117 = arith.index_cast %add3A_1116 : i32 to index
      %swap3A_1118 = tpu.vector_load %arg8[%swap3A_1117] {strides = array<i32>} : memref<32768xf32, #tpu.memory_space<vmem>>, vector<16xf32>,
      %swap3A_1119 = vector.shape_cast %swap3A_1118 : vector<16xf32> to vector<16xf32>
      %swap3A_1120 = vector.shape_cast %get3A_1112 : vector<16xf32> to vector<16xf32>
      tpu.vector_store %arg8[%swap3A_1117], %swap3A_1120 {strides = array<i32>} : memref<32768xf32, #tpu.memory_space<vmem>>, vector<16xf32>,
      %add3A_1121 = arith.constant 16 : i32
      %add3A_1122 = arith.addi %mul3A_1106, %add3A_1121 : i32
      %get3A_1123 = arith.index_cast %add3A_1102 : i32 to index
      %get3A_1124 = arith.index_cast %add3A_1122 : i32 to index
      %get3A_1125 = tpu.vector_load %arg7[%get3A_1123, %get3A_1124] {strides = array<i32>} : memref<512x128xf32, #tpu.memory_space<vmem>>, vector<1x16xf32>,
      %get3A_1126 = vector.shape_cast %get3A_1125 : vector<1x16xf32> to vector<16xf32>
      %mul3A_1127 = arith.constant 64 : i32
      %mul3A_1128 = arith.muli %add3A_1102, %mul3A_1127 : i32
      %add3A_1129 = arith.constant 16 : i32
      %add3A_1130 = arith.addi %mul3A_1128, %add3A_1129 : i32
      %swap3A_1131 = arith.index_cast %add3A_1130 : i32 to index
      %swap3A_1132 = tpu.vector_load %arg8[%swap3A_1131] {strides = array<i32>} : memref<32768xf32, #tpu.memory_space<vmem>>, vector<16xf32>,
      %swap3A_1133 = vector.shape_cast %swap3A_1132 : vector<16xf32> to vector<16xf32>
      %swap3A_1134 = vector.shape_cast %get3A_1126 : vector<16xf32> to vector<16xf32>
      tpu.vector_store %arg8[%swap3A_1131], %swap3A_1134 {strides = array<i32>} : memref<32768xf32, #tpu.memory_space<vmem>>, vector<16xf32>,
      %add3A_1135 = arith.constant 32 : i32
      %add3A_1136 = arith.addi %mul3A_1106, %add3A_1135 : i32
      %get3A_1137 = arith.index_cast %add3A_1102 : i32 to index
      %get3A_1138 = arith.index_cast %add3A_1136 : i32 to index
      %get3A_1139 = tpu.vector_load %arg7[%get3A_1137, %get3A_1138] {strides = array<i32>} : memref<512x128xf32, #tpu.memory_space<vmem>>, vector<1x16xf32>,
      %get3A_1140 = vector.shape_cast %get3A_1139 : vector<1x16xf32> to vector<16xf32>
      %mul3A_1141 = arith.constant 64 : i32
      %mul3A_1142 = arith.muli %add3A_1102, %mul3A_1141 : i32
      %add3A_1143 = arith.constant 32 : i32
      %add3A_1144 = arith.addi %mul3A_1142, %add3A_1143 : i32
      %swap3A_1145 = arith.index_cast %add3A_1144 : i32 to index
      %swap3A_1146 = tpu.vector_load %arg8[%swap3A_1145] {strides = array<i32>} : memref<32768xf32, #tpu.memory_space<vmem>>, vector<16xf32>,
      %swap3A_1147 = vector.shape_cast %swap3A_1146 : vector<16xf32> to vector<16xf32>
      %swap3A_1148 = vector.shape_cast %get3A_1140 : vector<16xf32> to vector<16xf32>
      tpu.vector_store %arg8[%swap3A_1145], %swap3A_1148 {strides = array<i32>} : memref<32768xf32, #tpu.memory_space<vmem>>, vector<16xf32>,
      %add3A_1149 = arith.constant 48 : i32
      %add3A_1150 = arith.addi %mul3A_1106, %add3A_1149 : i32
      %get3A_1151 = arith.index_cast %add3A_1102 : i32 to index
      %get3A_1152 = arith.index_cast %add3A_1150 : i32 to index
      %get3A_1153 = tpu.vector_load %arg7[%get3A_1151, %get3A_1152] {strides = array<i32>} : memref<512x128xf32, #tpu.memory_space<vmem>>, vector<1x16xf32>,
      %get3A_1154 = vector.shape_cast %get3A_1153 : vector<1x16xf32> to vector<16xf32>
      %mul3A_1155 = arith.constant 64 : i32
      %mul3A_1156 = arith.muli %add3A_1102, %mul3A_1155 : i32
      %add3A_1157 = arith.constant 48 : i32
      %add3A_1158 = arith.addi %mul3A_1156, %add3A_1157 : i32
      %swap3A_1159 = arith.index_cast %add3A_1158 : i32 to index
      %swap3A_1160 = tpu.vector_load %arg8[%swap3A_1159] {strides = array<i32>} : memref<32768xf32, #tpu.memory_space<vmem>>, vector<16xf32>,
      %swap3A_1161 = vector.shape_cast %swap3A_1160 : vector<16xf32> to vector<16xf32>
      %swap3A_1162 = vector.shape_cast %get3A_1154 : vector<16xf32> to vector<16xf32>
      tpu.vector_store %arg8[%swap3A_1159], %swap3A_1162 {strides = array<i32>} : memref<32768xf32, #tpu.memory_space<vmem>>, vector<16xf32>,
      %mul3A_1163 = arith.constant 16 : i32
      %mul3A_1164 = arith.muli %scan3A_389, %mul3A_1163 : i32
      %add3A_1165 = arith.constant 12 : i32
      %add3A_1166 = arith.addi %mul3A_1164, %add3A_1165 : i32
      %slice3A_1167 = vector.extract_strided_slice %and3A_396 {offsets = [12], sizes = [1], strides = [1]} : vector<16xi32> to vector<1xi32>
      %squeeze3A_1168 = vector.extract %slice3A_1167[0] : i32 from vector<1xi32>
      %mul3A_1169 = arith.constant 64 : i32
      %mul3A_1170 = arith.muli %squeeze3A_1168, %mul3A_1169 : i32
      %add3A_1171 = arith.constant 0 : i32
      %add3A_1172 = arith.addi %mul3A_1170, %add3A_1171 : i32
      %get3A_1173 = arith.index_cast %add3A_1166 : i32 to index
      %get3A_1174 = arith.index_cast %add3A_1172 : i32 to index
      %get3A_1175 = tpu.vector_load %arg7[%get3A_1173, %get3A_1174] {strides = array<i32>} : memref<512x128xf32, #tpu.memory_space<vmem>>, vector<1x16xf32>,
      %get3A_1176 = vector.shape_cast %get3A_1175 : vector<1x16xf32> to vector<16xf32>
      %mul3A_1177 = arith.constant 64 : i32
      %mul3A_1178 = arith.muli %add3A_1166, %mul3A_1177 : i32
      %add3A_1179 = arith.constant 0 : i32
      %add3A_1180 = arith.addi %mul3A_1178, %add3A_1179 : i32
      %swap3A_1181 = arith.index_cast %add3A_1180 : i32 to index
      %swap3A_1182 = tpu.vector_load %arg8[%swap3A_1181] {strides = array<i32>} : memref<32768xf32, #tpu.memory_space<vmem>>, vector<16xf32>,
      %swap3A_1183 = vector.shape_cast %swap3A_1182 : vector<16xf32> to vector<16xf32>
      %swap3A_1184 = vector.shape_cast %get3A_1176 : vector<16xf32> to vector<16xf32>
      tpu.vector_store %arg8[%swap3A_1181], %swap3A_1184 {strides = array<i32>} : memref<32768xf32, #tpu.memory_space<vmem>>, vector<16xf32>,
      %add3A_1185 = arith.constant 16 : i32
      %add3A_1186 = arith.addi %mul3A_1170, %add3A_1185 : i32
      %get3A_1187 = arith.index_cast %add3A_1166 : i32 to index
      %get3A_1188 = arith.index_cast %add3A_1186 : i32 to index
      %get3A_1189 = tpu.vector_load %arg7[%get3A_1187, %get3A_1188] {strides = array<i32>} : memref<512x128xf32, #tpu.memory_space<vmem>>, vector<1x16xf32>,
      %get3A_1190 = vector.shape_cast %get3A_1189 : vector<1x16xf32> to vector<16xf32>
      %mul3A_1191 = arith.constant 64 : i32
      %mul3A_1192 = arith.muli %add3A_1166, %mul3A_1191 : i32
      %add3A_1193 = arith.constant 16 : i32
      %add3A_1194 = arith.addi %mul3A_1192, %add3A_1193 : i32
      %swap3A_1195 = arith.index_cast %add3A_1194 : i32 to index
      %swap3A_1196 = tpu.vector_load %arg8[%swap3A_1195] {strides = array<i32>} : memref<32768xf32, #tpu.memory_space<vmem>>, vector<16xf32>,
      %swap3A_1197 = vector.shape_cast %swap3A_1196 : vector<16xf32> to vector<16xf32>
      %swap3A_1198 = vector.shape_cast %get3A_1190 : vector<16xf32> to vector<16xf32>
      tpu.vector_store %arg8[%swap3A_1195], %swap3A_1198 {strides = array<i32>} : memref<32768xf32, #tpu.memory_space<vmem>>, vector<16xf32>,
      %add3A_1199 = arith.constant 32 : i32
      %add3A_1200 = arith.addi %mul3A_1170, %add3A_1199 : i32
      %get3A_1201 = arith.index_cast %add3A_1166 : i32 to index
      %get3A_1202 = arith.index_cast %add3A_1200 : i32 to index
      %get3A_1203 = tpu.vector_load %arg7[%get3A_1201, %get3A_1202] {strides = array<i32>} : memref<512x128xf32, #tpu.memory_space<vmem>>, vector<1x16xf32>,
      %get3A_1204 = vector.shape_cast %get3A_1203 : vector<1x16xf32> to vector<16xf32>
      %mul3A_1205 = arith.constant 64 : i32
      %mul3A_1206 = arith.muli %add3A_1166, %mul3A_1205 : i32
      %add3A_1207 = arith.constant 32 : i32
      %add3A_1208 = arith.addi %mul3A_1206, %add3A_1207 : i32
      %swap3A_1209 = arith.index_cast %add3A_1208 : i32 to index
      %swap3A_1210 = tpu.vector_load %arg8[%swap3A_1209] {strides = array<i32>} : memref<32768xf32, #tpu.memory_space<vmem>>, vector<16xf32>,
      %swap3A_1211 = vector.shape_cast %swap3A_1210 : vector<16xf32> to vector<16xf32>
      %swap3A_1212 = vector.shape_cast %get3A_1204 : vector<16xf32> to vector<16xf32>
      tpu.vector_store %arg8[%swap3A_1209], %swap3A_1212 {strides = array<i32>} : memref<32768xf32, #tpu.memory_space<vmem>>, vector<16xf32>,
      %add3A_1213 = arith.constant 48 : i32
      %add3A_1214 = arith.addi %mul3A_1170, %add3A_1213 : i32
      %get3A_1215 = arith.index_cast %add3A_1166 : i32 to index
      %get3A_1216 = arith.index_cast %add3A_1214 : i32 to index
      %get3A_1217 = tpu.vector_load %arg7[%get3A_1215, %get3A_1216] {strides = array<i32>} : memref<512x128xf32, #tpu.memory_space<vmem>>, vector<1x16xf32>,
      %get3A_1218 = vector.shape_cast %get3A_1217 : vector<1x16xf32> to vector<16xf32>
      %mul3A_1219 = arith.constant 64 : i32
      %mul3A_1220 = arith.muli %add3A_1166, %mul3A_1219 : i32
      %add3A_1221 = arith.constant 48 : i32
      %add3A_1222 = arith.addi %mul3A_1220, %add3A_1221 : i32
      %swap3A_1223 = arith.index_cast %add3A_1222 : i32 to index
      %swap3A_1224 = tpu.vector_load %arg8[%swap3A_1223] {strides = array<i32>} : memref<32768xf32, #tpu.memory_space<vmem>>, vector<16xf32>,
      %swap3A_1225 = vector.shape_cast %swap3A_1224 : vector<16xf32> to vector<16xf32>
      %swap3A_1226 = vector.shape_cast %get3A_1218 : vector<16xf32> to vector<16xf32>
      tpu.vector_store %arg8[%swap3A_1223], %swap3A_1226 {strides = array<i32>} : memref<32768xf32, #tpu.memory_space<vmem>>, vector<16xf32>,
      %mul3A_1227 = arith.constant 16 : i32
      %mul3A_1228 = arith.muli %scan3A_389, %mul3A_1227 : i32
      %add3A_1229 = arith.constant 13 : i32
      %add3A_1230 = arith.addi %mul3A_1228, %add3A_1229 : i32
      %slice3A_1231 = vector.extract_strided_slice %and3A_396 {offsets = [13], sizes = [1], strides = [1]} : vector<16xi32> to vector<1xi32>
      %squeeze3A_1232 = vector.extract %slice3A_1231[0] : i32 from vector<1xi32>
      %mul3A_1233 = arith.constant 64 : i32
      %mul3A_1234 = arith.muli %squeeze3A_1232, %mul3A_1233 : i32
      %add3A_1235 = arith.constant 0 : i32
      %add3A_1236 = arith.addi %mul3A_1234, %add3A_1235 : i32
      %get3A_1237 = arith.index_cast %add3A_1230 : i32 to index
      %get3A_1238 = arith.index_cast %add3A_1236 : i32 to index
      %get3A_1239 = tpu.vector_load %arg7[%get3A_1237, %get3A_1238] {strides = array<i32>} : memref<512x128xf32, #tpu.memory_space<vmem>>, vector<1x16xf32>,
      %get3A_1240 = vector.shape_cast %get3A_1239 : vector<1x16xf32> to vector<16xf32>
      %mul3A_1241 = arith.constant 64 : i32
      %mul3A_1242 = arith.muli %add3A_1230, %mul3A_1241 : i32
      %add3A_1243 = arith.constant 0 : i32
      %add3A_1244 = arith.addi %mul3A_1242, %add3A_1243 : i32
      %swap3A_1245 = arith.index_cast %add3A_1244 : i32 to index
      %swap3A_1246 = tpu.vector_load %arg8[%swap3A_1245] {strides = array<i32>} : memref<32768xf32, #tpu.memory_space<vmem>>, vector<16xf32>,
      %swap3A_1247 = vector.shape_cast %swap3A_1246 : vector<16xf32> to vector<16xf32>
      %swap3A_1248 = vector.shape_cast %get3A_1240 : vector<16xf32> to vector<16xf32>
      tpu.vector_store %arg8[%swap3A_1245], %swap3A_1248 {strides = array<i32>} : memref<32768xf32, #tpu.memory_space<vmem>>, vector<16xf32>,
      %add3A_1249 = arith.constant 16 : i32
      %add3A_1250 = arith.addi %mul3A_1234, %add3A_1249 : i32
      %get3A_1251 = arith.index_cast %add3A_1230 : i32 to index
      %get3A_1252 = arith.index_cast %add3A_1250 : i32 to index
      %get3A_1253 = tpu.vector_load %arg7[%get3A_1251, %get3A_1252] {strides = array<i32>} : memref<512x128xf32, #tpu.memory_space<vmem>>, vector<1x16xf32>,
      %get3A_1254 = vector.shape_cast %get3A_1253 : vector<1x16xf32> to vector<16xf32>
      %mul3A_1255 = arith.constant 64 : i32
      %mul3A_1256 = arith.muli %add3A_1230, %mul3A_1255 : i32
      %add3A_1257 = arith.constant 16 : i32
      %add3A_1258 = arith.addi %mul3A_1256, %add3A_1257 : i32
      %swap3A_1259 = arith.index_cast %add3A_1258 : i32 to index
      %swap3A_1260 = tpu.vector_load %arg8[%swap3A_1259] {strides = array<i32>} : memref<32768xf32, #tpu.memory_space<vmem>>, vector<16xf32>,
      %swap3A_1261 = vector.shape_cast %swap3A_1260 : vector<16xf32> to vector<16xf32>
      %swap3A_1262 = vector.shape_cast %get3A_1254 : vector<16xf32> to vector<16xf32>
      tpu.vector_store %arg8[%swap3A_1259], %swap3A_1262 {strides = array<i32>} : memref<32768xf32, #tpu.memory_space<vmem>>, vector<16xf32>,
      %add3A_1263 = arith.constant 32 : i32
      %add3A_1264 = arith.addi %mul3A_1234, %add3A_1263 : i32
      %get3A_1265 = arith.index_cast %add3A_1230 : i32 to index
      %get3A_1266 = arith.index_cast %add3A_1264 : i32 to index
      %get3A_1267 = tpu.vector_load %arg7[%get3A_1265, %get3A_1266] {strides = array<i32>} : memref<512x128xf32, #tpu.memory_space<vmem>>, vector<1x16xf32>,
      %get3A_1268 = vector.shape_cast %get3A_1267 : vector<1x16xf32> to vector<16xf32>
      %mul3A_1269 = arith.constant 64 : i32
      %mul3A_1270 = arith.muli %add3A_1230, %mul3A_1269 : i32
      %add3A_1271 = arith.constant 32 : i32
      %add3A_1272 = arith.addi %mul3A_1270, %add3A_1271 : i32
      %swap3A_1273 = arith.index_cast %add3A_1272 : i32 to index
      %swap3A_1274 = tpu.vector_load %arg8[%swap3A_1273] {strides = array<i32>} : memref<32768xf32, #tpu.memory_space<vmem>>, vector<16xf32>,
      %swap3A_1275 = vector.shape_cast %swap3A_1274 : vector<16xf32> to vector<16xf32>
      %swap3A_1276 = vector.shape_cast %get3A_1268 : vector<16xf32> to vector<16xf32>
      tpu.vector_store %arg8[%swap3A_1273], %swap3A_1276 {strides = array<i32>} : memref<32768xf32, #tpu.memory_space<vmem>>, vector<16xf32>,
      %add3A_1277 = arith.constant 48 : i32
      %add3A_1278 = arith.addi %mul3A_1234, %add3A_1277 : i32
      %get3A_1279 = arith.index_cast %add3A_1230 : i32 to index
      %get3A_1280 = arith.index_cast %add3A_1278 : i32 to index
      %get3A_1281 = tpu.vector_load %arg7[%get3A_1279, %get3A_1280] {strides = array<i32>} : memref<512x128xf32, #tpu.memory_space<vmem>>, vector<1x16xf32>,
      %get3A_1282 = vector.shape_cast %get3A_1281 : vector<1x16xf32> to vector<16xf32>
      %mul3A_1283 = arith.constant 64 : i32
      %mul3A_1284 = arith.muli %add3A_1230, %mul3A_1283 : i32
      %add3A_1285 = arith.constant 48 : i32
      %add3A_1286 = arith.addi %mul3A_1284, %add3A_1285 : i32
      %swap3A_1287 = arith.index_cast %add3A_1286 : i32 to index
      %swap3A_1288 = tpu.vector_load %arg8[%swap3A_1287] {strides = array<i32>} : memref<32768xf32, #tpu.memory_space<vmem>>, vector<16xf32>,
      %swap3A_1289 = vector.shape_cast %swap3A_1288 : vector<16xf32> to vector<16xf32>
      %swap3A_1290 = vector.shape_cast %get3A_1282 : vector<16xf32> to vector<16xf32>
      tpu.vector_store %arg8[%swap3A_1287], %swap3A_1290 {strides = array<i32>} : memref<32768xf32, #tpu.memory_space<vmem>>, vector<16xf32>,
      %mul3A_1291 = arith.constant 16 : i32
      %mul3A_1292 = arith.muli %scan3A_389, %mul3A_1291 : i32
      %add3A_1293 = arith.constant 14 : i32
      %add3A_1294 = arith.addi %mul3A_1292, %add3A_1293 : i32
      %slice3A_1295 = vector.extract_strided_slice %and3A_396 {offsets = [14], sizes = [1], strides = [1]} : vector<16xi32> to vector<1xi32>
      %squeeze3A_1296 = vector.extract %slice3A_1295[0] : i32 from vector<1xi32>
      %mul3A_1297 = arith.constant 64 : i32
      %mul3A_1298 = arith.muli %squeeze3A_1296, %mul3A_1297 : i32
      %add3A_1299 = arith.constant 0 : i32
      %add3A_1300 = arith.addi %mul3A_1298, %add3A_1299 : i32
      %get3A_1301 = arith.index_cast %add3A_1294 : i32 to index
      %get3A_1302 = arith.index_cast %add3A_1300 : i32 to index
      %get3A_1303 = tpu.vector_load %arg7[%get3A_1301, %get3A_1302] {strides = array<i32>} : memref<512x128xf32, #tpu.memory_space<vmem>>, vector<1x16xf32>,
      %get3A_1304 = vector.shape_cast %get3A_1303 : vector<1x16xf32> to vector<16xf32>
      %mul3A_1305 = arith.constant 64 : i32
      %mul3A_1306 = arith.muli %add3A_1294, %mul3A_1305 : i32
      %add3A_1307 = arith.constant 0 : i32
      %add3A_1308 = arith.addi %mul3A_1306, %add3A_1307 : i32
      %swap3A_1309 = arith.index_cast %add3A_1308 : i32 to index
      %swap3A_1310 = tpu.vector_load %arg8[%swap3A_1309] {strides = array<i32>} : memref<32768xf32, #tpu.memory_space<vmem>>, vector<16xf32>,
      %swap3A_1311 = vector.shape_cast %swap3A_1310 : vector<16xf32> to vector<16xf32>
      %swap3A_1312 = vector.shape_cast %get3A_1304 : vector<16xf32> to vector<16xf32>
      tpu.vector_store %arg8[%swap3A_1309], %swap3A_1312 {strides = array<i32>} : memref<32768xf32, #tpu.memory_space<vmem>>, vector<16xf32>,
      %add3A_1313 = arith.constant 16 : i32
      %add3A_1314 = arith.addi %mul3A_1298, %add3A_1313 : i32
      %get3A_1315 = arith.index_cast %add3A_1294 : i32 to index
      %get3A_1316 = arith.index_cast %add3A_1314 : i32 to index
      %get3A_1317 = tpu.vector_load %arg7[%get3A_1315, %get3A_1316] {strides = array<i32>} : memref<512x128xf32, #tpu.memory_space<vmem>>, vector<1x16xf32>,
      %get3A_1318 = vector.shape_cast %get3A_1317 : vector<1x16xf32> to vector<16xf32>
      %mul3A_1319 = arith.constant 64 : i32
      %mul3A_1320 = arith.muli %add3A_1294, %mul3A_1319 : i32
      %add3A_1321 = arith.constant 16 : i32
      %add3A_1322 = arith.addi %mul3A_1320, %add3A_1321 : i32
      %swap3A_1323 = arith.index_cast %add3A_1322 : i32 to index
      %swap3A_1324 = tpu.vector_load %arg8[%swap3A_1323] {strides = array<i32>} : memref<32768xf32, #tpu.memory_space<vmem>>, vector<16xf32>,
      %swap3A_1325 = vector.shape_cast %swap3A_1324 : vector<16xf32> to vector<16xf32>
      %swap3A_1326 = vector.shape_cast %get3A_1318 : vector<16xf32> to vector<16xf32>
      tpu.vector_store %arg8[%swap3A_1323], %swap3A_1326 {strides = array<i32>} : memref<32768xf32, #tpu.memory_space<vmem>>, vector<16xf32>,
      %add3A_1327 = arith.constant 32 : i32
      %add3A_1328 = arith.addi %mul3A_1298, %add3A_1327 : i32
      %get3A_1329 = arith.index_cast %add3A_1294 : i32 to index
      %get3A_1330 = arith.index_cast %add3A_1328 : i32 to index
      %get3A_1331 = tpu.vector_load %arg7[%get3A_1329, %get3A_1330] {strides = array<i32>} : memref<512x128xf32, #tpu.memory_space<vmem>>, vector<1x16xf32>,
      %get3A_1332 = vector.shape_cast %get3A_1331 : vector<1x16xf32> to vector<16xf32>
      %mul3A_1333 = arith.constant 64 : i32
      %mul3A_1334 = arith.muli %add3A_1294, %mul3A_1333 : i32
      %add3A_1335 = arith.constant 32 : i32
      %add3A_1336 = arith.addi %mul3A_1334, %add3A_1335 : i32
      %swap3A_1337 = arith.index_cast %add3A_1336 : i32 to index
      %swap3A_1338 = tpu.vector_load %arg8[%swap3A_1337] {strides = array<i32>} : memref<32768xf32, #tpu.memory_space<vmem>>, vector<16xf32>,
      %swap3A_1339 = vector.shape_cast %swap3A_1338 : vector<16xf32> to vector<16xf32>
      %swap3A_1340 = vector.shape_cast %get3A_1332 : vector<16xf32> to vector<16xf32>
      tpu.vector_store %arg8[%swap3A_1337], %swap3A_1340 {strides = array<i32>} : memref<32768xf32, #tpu.memory_space<vmem>>, vector<16xf32>,
      %add3A_1341 = arith.constant 48 : i32
      %add3A_1342 = arith.addi %mul3A_1298, %add3A_1341 : i32
      %get3A_1343 = arith.index_cast %add3A_1294 : i32 to index
      %get3A_1344 = arith.index_cast %add3A_1342 : i32 to index
      %get3A_1345 = tpu.vector_load %arg7[%get3A_1343, %get3A_1344] {strides = array<i32>} : memref<512x128xf32, #tpu.memory_space<vmem>>, vector<1x16xf32>,
      %get3A_1346 = vector.shape_cast %get3A_1345 : vector<1x16xf32> to vector<16xf32>
      %mul3A_1347 = arith.constant 64 : i32
      %mul3A_1348 = arith.muli %add3A_1294, %mul3A_1347 : i32
      %add3A_1349 = arith.constant 48 : i32
      %add3A_1350 = arith.addi %mul3A_1348, %add3A_1349 : i32
      %swap3A_1351 = arith.index_cast %add3A_1350 : i32 to index
      %swap3A_1352 = tpu.vector_load %arg8[%swap3A_1351] {strides = array<i32>} : memref<32768xf32, #tpu.memory_space<vmem>>, vector<16xf32>,
      %swap3A_1353 = vector.shape_cast %swap3A_1352 : vector<16xf32> to vector<16xf32>
      %swap3A_1354 = vector.shape_cast %get3A_1346 : vector<16xf32> to vector<16xf32>
      tpu.vector_store %arg8[%swap3A_1351], %swap3A_1354 {strides = array<i32>} : memref<32768xf32, #tpu.memory_space<vmem>>, vector<16xf32>,
      %mul3A_1355 = arith.constant 16 : i32
      %mul3A_1356 = arith.muli %scan3A_389, %mul3A_1355 : i32
      %add3A_1357 = arith.constant 15 : i32
      %add3A_1358 = arith.addi %mul3A_1356, %add3A_1357 : i32
      %slice3A_1359 = vector.extract_strided_slice %and3A_396 {offsets = [15], sizes = [1], strides = [1]} : vector<16xi32> to vector<1xi32>
      %squeeze3A_1360 = vector.extract %slice3A_1359[0] : i32 from vector<1xi32>
      %mul3A_1361 = arith.constant 64 : i32
      %mul3A_1362 = arith.muli %squeeze3A_1360, %mul3A_1361 : i32
      %add3A_1363 = arith.constant 0 : i32
      %add3A_1364 = arith.addi %mul3A_1362, %add3A_1363 : i32
      %get3A_1365 = arith.index_cast %add3A_1358 : i32 to index
      %get3A_1366 = arith.index_cast %add3A_1364 : i32 to index
      %get3A_1367 = tpu.vector_load %arg7[%get3A_1365, %get3A_1366] {strides = array<i32>} : memref<512x128xf32, #tpu.memory_space<vmem>>, vector<1x16xf32>,
      %get3A_1368 = vector.shape_cast %get3A_1367 : vector<1x16xf32> to vector<16xf32>
      %mul3A_1369 = arith.constant 64 : i32
      %mul3A_1370 = arith.muli %add3A_1358, %mul3A_1369 : i32
      %add3A_1371 = arith.constant 0 : i32
      %add3A_1372 = arith.addi %mul3A_1370, %add3A_1371 : i32
      %swap3A_1373 = arith.index_cast %add3A_1372 : i32 to index
      %swap3A_1374 = tpu.vector_load %arg8[%swap3A_1373] {strides = array<i32>} : memref<32768xf32, #tpu.memory_space<vmem>>, vector<16xf32>,
      %swap3A_1375 = vector.shape_cast %swap3A_1374 : vector<16xf32> to vector<16xf32>
      %swap3A_1376 = vector.shape_cast %get3A_1368 : vector<16xf32> to vector<16xf32>
      tpu.vector_store %arg8[%swap3A_1373], %swap3A_1376 {strides = array<i32>} : memref<32768xf32, #tpu.memory_space<vmem>>, vector<16xf32>,
      %add3A_1377 = arith.constant 16 : i32
      %add3A_1378 = arith.addi %mul3A_1362, %add3A_1377 : i32
      %get3A_1379 = arith.index_cast %add3A_1358 : i32 to index
      %get3A_1380 = arith.index_cast %add3A_1378 : i32 to index
      %get3A_1381 = tpu.vector_load %arg7[%get3A_1379, %get3A_1380] {strides = array<i32>} : memref<512x128xf32, #tpu.memory_space<vmem>>, vector<1x16xf32>,
      %get3A_1382 = vector.shape_cast %get3A_1381 : vector<1x16xf32> to vector<16xf32>
      %mul3A_1383 = arith.constant 64 : i32
      %mul3A_1384 = arith.muli %add3A_1358, %mul3A_1383 : i32
      %add3A_1385 = arith.constant 16 : i32
      %add3A_1386 = arith.addi %mul3A_1384, %add3A_1385 : i32
      %swap3A_1387 = arith.index_cast %add3A_1386 : i32 to index
      %swap3A_1388 = tpu.vector_load %arg8[%swap3A_1387] {strides = array<i32>} : memref<32768xf32, #tpu.memory_space<vmem>>, vector<16xf32>,
      %swap3A_1389 = vector.shape_cast %swap3A_1388 : vector<16xf32> to vector<16xf32>
      %swap3A_1390 = vector.shape_cast %get3A_1382 : vector<16xf32> to vector<16xf32>
      tpu.vector_store %arg8[%swap3A_1387], %swap3A_1390 {strides = array<i32>} : memref<32768xf32, #tpu.memory_space<vmem>>, vector<16xf32>,
      %add3A_1391 = arith.constant 32 : i32
      %add3A_1392 = arith.addi %mul3A_1362, %add3A_1391 : i32
      %get3A_1393 = arith.index_cast %add3A_1358 : i32 to index
      %get3A_1394 = arith.index_cast %add3A_1392 : i32 to index
      %get3A_1395 = tpu.vector_load %arg7[%get3A_1393, %get3A_1394] {strides = array<i32>} : memref<512x128xf32, #tpu.memory_space<vmem>>, vector<1x16xf32>,
      %get3A_1396 = vector.shape_cast %get3A_1395 : vector<1x16xf32> to vector<16xf32>
      %mul3A_1397 = arith.constant 64 : i32
      %mul3A_1398 = arith.muli %add3A_1358, %mul3A_1397 : i32
      %add3A_1399 = arith.constant 32 : i32
      %add3A_1400 = arith.addi %mul3A_1398, %add3A_1399 : i32
      %swap3A_1401 = arith.index_cast %add3A_1400 : i32 to index
      %swap3A_1402 = tpu.vector_load %arg8[%swap3A_1401] {strides = array<i32>} : memref<32768xf32, #tpu.memory_space<vmem>>, vector<16xf32>,
      %swap3A_1403 = vector.shape_cast %swap3A_1402 : vector<16xf32> to vector<16xf32>
      %swap3A_1404 = vector.shape_cast %get3A_1396 : vector<16xf32> to vector<16xf32>
      tpu.vector_store %arg8[%swap3A_1401], %swap3A_1404 {strides = array<i32>} : memref<32768xf32, #tpu.memory_space<vmem>>, vector<16xf32>,
      %add3A_1405 = arith.constant 48 : i32
      %add3A_1406 = arith.addi %mul3A_1362, %add3A_1405 : i32
      %get3A_1407 = arith.index_cast %add3A_1358 : i32 to index
      %get3A_1408 = arith.index_cast %add3A_1406 : i32 to index
      %get3A_1409 = tpu.vector_load %arg7[%get3A_1407, %get3A_1408] {strides = array<i32>} : memref<512x128xf32, #tpu.memory_space<vmem>>, vector<1x16xf32>,
      %get3A_1410 = vector.shape_cast %get3A_1409 : vector<1x16xf32> to vector<16xf32>
      %mul3A_1411 = arith.constant 64 : i32
      %mul3A_1412 = arith.muli %add3A_1358, %mul3A_1411 : i32
      %add3A_1413 = arith.constant 48 : i32
      %add3A_1414 = arith.addi %mul3A_1412, %add3A_1413 : i32
      %swap3A_1415 = arith.index_cast %add3A_1414 : i32 to index
      %swap3A_1416 = tpu.vector_load %arg8[%swap3A_1415] {strides = array<i32>} : memref<32768xf32, #tpu.memory_space<vmem>>, vector<16xf32>,
      %swap3A_1417 = vector.shape_cast %swap3A_1416 : vector<16xf32> to vector<16xf32>
      %swap3A_1418 = vector.shape_cast %get3A_1410 : vector<16xf32> to vector<16xf32>
      tpu.vector_store %arg8[%swap3A_1415], %swap3A_1418 {strides = array<i32>} : memref<32768xf32, #tpu.memory_space<vmem>>, vector<16xf32>,
    }
    %scan3A_386 = arith.constant 32 : i32
    %mul3A_387 = arith.constant 64 : i32
    %mul3A_388 = arith.muli %mul3A_2, %mul3A_387 : i32
    "tpu.region"() ({
      %run_scoped3A = tpu.sem_alloc : memref<!tpu.dma_semaphore, #tpu.memory_space<semaphore_mem>>
      %dma_start3A_389 = tpu.memref_slice %arg4[%mul3A_388] : memref<1048576xf32, #tpu.memory_space<hbm>> -> memref<32768xf32, #tpu.memory_space<hbm>>
      %dma_start3A_390 = tpu.memref_slice %arg4[%mul3A_388] : memref<1048576xf32, #tpu.memory_space<hbm>> -> memref<32768xf32, #tpu.memory_space<hbm>>
      tpu.enqueue_dma source(%arg8 : memref<32768xf32, #tpu.memory_space<vmem>>) target(%dma_start3A_390 : memref<32768xf32, #tpu.memory_space<hbm>>) target_semaphore(%run_scoped3A : memref<!tpu.dma_semaphore, #tpu.memory_space<semaphore_mem>>)
      %dma_wait3A_391 = tpu.memref_slice %arg4[%mul3A_388] : memref<1048576xf32, #tpu.memory_space<hbm>> -> memref<32768xf32, #tpu.memory_space<hbm>>
      %dma_wait3A_392 = tpu.memref_slice %arg4[%mul3A_388] : memref<1048576xf32, #tpu.memory_space<hbm>> -> memref<32768xf32, #tpu.memory_space<hbm>>
      tpu.wait_dma2 semaphore(%run_scoped3A : memref<!tpu.dma_semaphore, #tpu.memory_space<semaphore_mem>>) src(%arg8 : memref<32768xf32, #tpu.memory_space<vmem>>) dst(%dma_wait3A_392 : memref<32768xf32, #tpu.memory_space<hbm>>)
      tpu.yield
    }) : () -> ()
    return
  }
}

</mosaic_0001>

<sc_bundles>
// kernel: kernel.3.cloned.1.call-start
scs
__scs_entry_jumppad:
0x0: {  	(pc) =	sbr.rel $0x88, $3  }
0x1: {  	(tag) =	ssettag $0x0;
	lr =	simm.s32 $0x1  }
0x2: {  	[smem:$0x3F9F] =	sst lr;
	_ =	strace $0xD0000000  }
0x3: {  	_ = 	snop  }
0x4: {  	_ = 	snop  }
0x5: {  	_ = 	snop  }
0x6: {  	_ = 	snop  }
0x7: {  	_ = 	snop  }
__scs_overlays_trampoline_lowered:
0x8: {  	[smem:$0x3FAE] =	sst s0  }
0x9: {  	[smem:$0x3FAF] =	sst s1  }
0xa: {  	[smem:$0x3FB0] =	sst s2  }
0xb: {  	[smem:$0x3FB1] =	sst s3  }
0xc: {  	[smem:$0x3FB2] =	sst s4  }
0xd: {  	[smem:$0x3FB3] =	sst s5  }
0xe: {  	[smem:$0x3FB4] =	sst s6  }
0xf: {  	[smem:$0x3FB5] =	sst s7  }
0x10: {  	[smem:$0x3FB6] =	sst s8  }
0x11: {  	[smem:$0x3FB7] =	sst s9;
	s0 =	simm.s32 @!p0 $0x0  }
0x12: {  	s1 =	sld [smem:$0x3F9D];
	s0 =	simm.s32 @p0 $0x1  }
0x13: {  	[smem:$0x3FB8] =	sst s0;
	s0 =	simm.s32 @!p1 $0x0  }
0x14: {  	s2 =	sld [smem:$0x3F9C];
	s0 =	simm.s32 @p1 $0x1  }
0x15: {  	[smem:$0x3FB9] =	sst s0;
	s0 =	simm.s32 @!p2 $0x0  }
0x16: {  	s3 =	sld [smem:$0x3FDB];
	s0 =	simm.s32 @p2 $0x1  }
0x17: {  	s4 =	simm.s32 $0x1BF5;
	[smem:$0x3FBB] =	sst s0  }
0x18: {  	s0 =	sld [smem:$0x3F9E];
	_ =	swait.ge [sflag:s4], $0x0  }
0x19: {  	s7 =	sld [smem:$0x3F9F]  }
0x1a: {  	s8 =	sadd.s32 $0xFFFFE003, lr  }
0x1b: {  	s9 =	sadd.s32 $0xFFFFFEF7, lr;
	s5 =	simm.s32 $0xFFFFFFFF;
	p2 =	slt.u32 s8, $0xFFFFF086  }
0x1c: {  	p1 =	slt.u32 s9, $0xF7A;
	s5 =	simm.s32 @!p2 $0x0  }
0x1d: {  	s5 =	simm.s32 @p1 $0x1;
	p0 =	seq.s32 s7, s2  }
0x1e: {  	s7 =	smul.u32 @!p0 $0xF7A, s2;
	p2 =	seq.s32 @!p0 s5, $0x0  }
0x1f: {  	s9 =	smul.u32 $0xF7A, s1;
	s8 =	simm.s32 @!p0 $0x1BF5;
	p2 =	por !p2, p0  }
0x20: {  	[sflag:s8] =	ssyncset.s32 @!p0 $0xFFFFF086;
	s6 =	sadd.s32 @!p0 s3, s7;
	s7 =	simm.s32 @!p0 $0x108  }
0x21: {  	s3 =	sadd.s32 s3, s9;
	s6 =	sadd.s32 @!p0 $0x88, s6;
	s7 =	simm.s32 @p2 $0x1082  }
0x22: {  	[simem:s7], [sflag:s8] =	dma.local @!p0 [hbm:s6], $0xF7A  }
0x23: {  	s9 =	sor.u32 $0xD0000000, s2;
	s6 =	simm.s32 $0x108;
	_ =	swait.ge @!p0 [sflag:s8], $0x0  }
0x24: {  	s3 =	sadd.s32 $0x88, s3;
	s6 =	simm.s32 @!p1 $0x1082;
	[sflag:s4] =	ssyncset.s32 $0xFFFFF086  }
0x25: {  	[simem:s6], [sflag:s4] =	dma.local [hbm:s3], $0xF7A  }
0x26: {  	[smem:$0x3F9F] =	sst s1;
	(tag) =	ssettag s2;
	_ =	strace s9  }
0x27: {  	s1 =	sld [smem:$0x3FAF]  }
0x28: {  	s2 =	sld [smem:$0x3FB0]  }
0x29: {  	s4 =	sld [smem:$0x3FB2]  }
0x2a: {  	p0 =	seq.s32 s5, $0x0;
	s5 =	sld [smem:$0x3FB3]  }
0x2b: {  	s6 =	sld [smem:$0x3FB4]  }
0x2c: {  	s7 =	sld [smem:$0x3FB5]  }
0x2d: {  	s3 =	simm.s32 $0x108;
	s8 =	sld [smem:$0x3FB6]  }
0x2e: {  	s3 =	simm.s32 @!p0 $0x1082;
	s9 =	sld [smem:$0x3FB7]  }
0x2f: {  	lr =	sadd.s32 s0, s3;
	s0 =	sld [smem:$0x3FAE]  }
0x30: {  	s3 =	sld [smem:$0x3FB1]  }
0x31: {  	[smem:$0x3FBA] =	sst s10  }
0x32: {  	s10 =	sld [smem:$0x3FB8];
	_ =	sdelay $0x3  }
0x33: {  	p0 =	seq.s32 s10, $0x1;
	s10 =	sld [smem:$0x3FBA];
	_ =	sdelay $0x3  }
0x34: {  	[smem:$0x3FBA] =	sst s10  }
0x35: {  	s10 =	sld [smem:$0x3FB9];
	_ =	sdelay $0x3  }
0x36: {  	p1 =	seq.s32 s10, $0x1;
	s10 =	sld [smem:$0x3FBA];
	_ =	sdelay $0x3  }
0x37: {  	[smem:$0x3FBA] =	sst s10  }
0x38: {  	s10 =	sld [smem:$0x3FBB]  }
0x39: {  	_ = 	snop;
	(pc) =	sbr.ind lr, $3  }
0x3a: {  	_ = 	snop  }
0x3b: {  	_ = 	snop  }
0x3c: {  	p2 =	seq.s32 s10, $0x1;
	s10 =	sld [smem:$0x3FBA]  }
0x3d: {  	_ =	shalt  }
0x3e: {  	_ =	shalt  }
0x3f: {  	_ =	shalt  }
0x40: {  	_ =	shalt  }
0x41: {  	_ =	shalt  }
0x42: {  	_ =	shalt  }
0x43: {  	_ =	shalt  }
0x44: {  	_ =	shalt  }
0x45: {  	_ =	shalt  }
0x46: {  	_ =	shalt  }
0x47: {  	_ =	shalt  }
0x48: {  	_ =	shalt  }
0x49: {  	_ =	shalt  }
0x4a: {  	_ =	shalt  }
0x4b: {  	_ =	shalt  }
0x4c: {  	_ =	shalt  }
0x4d: {  	_ =	shalt  }
0x4e: {  	_ =	shalt  }
0x4f: {  	_ =	shalt  }
0x50: {  	_ =	shalt  }
0x51: {  	_ =	shalt  }
0x52: {  	_ =	shalt  }
0x53: {  	_ =	shalt  }
0x54: {  	_ =	shalt  }
0x55: {  	_ =	shalt  }
0x56: {  	_ =	shalt  }
0x57: {  	_ =	shalt  }
0x58: {  	_ =	shalt  }
0x59: {  	_ =	shalt  }
0x5a: {  	_ =	shalt  }
0x5b: {  	_ =	shalt  }
0x5c: {  	_ =	shalt  }
0x5d: {  	_ =	shalt  }
0x5e: {  	_ =	shalt  }
0x5f: {  	_ =	shalt  }
0x60: {  	_ =	shalt  }
0x61: {  	_ =	shalt  }
0x62: {  	_ =	shalt  }
0x63: {  	_ =	shalt  }
0x64: {  	_ =	shalt  }
0x65: {  	_ =	shalt  }
0x66: {  	_ =	shalt  }
0x67: {  	_ =	shalt  }
0x68: {  	_ =	shalt  }
0x69: {  	_ =	shalt  }
0x6a: {  	_ =	shalt  }
0x6b: {  	_ =	shalt  }
0x6c: {  	_ =	shalt  }
0x6d: {  	_ =	shalt  }
0x6e: {  	_ =	shalt  }
0x6f: {  	_ =	shalt  }
0x70: {  	_ =	shalt  }
0x71: {  	_ =	shalt  }
0x72: {  	_ =	shalt  }
0x73: {  	_ =	shalt  }
0x74: {  	_ =	shalt  }
0x75: {  	_ =	shalt  }
0x76: {  	_ =	shalt  }
0x77: {  	_ =	shalt  }
0x78: {  	_ =	shalt  }
0x79: {  	_ =	shalt  }
0x7a: {  	_ =	shalt  }
0x7b: {  	_ =	shalt  }
0x7c: {  	_ =	shalt  }
0x7d: {  	_ =	shalt  }
0x7e: {  	_ =	shalt  }
0x7f: {  	_ =	shalt  }
0x80: {  	_ =	shalt  }
0x81: {  	_ =	shalt  }
0x82: {  	_ =	shalt  }
0x83: {  	_ =	shalt  }
0x84: {  	_ =	shalt  }
0x85: {  	_ =	shalt  }
0x86: {  	_ =	shalt  }
0x87: {  	_ =	shalt  }
.Lfunc_end0:
.L_simem_size_0:
called_computation_lowered:
.L_overlay_start_0:
0x88: {  	s2 =	sld [smem:$0x3FD9]  }
0x89: {  	s3 =	sld [smem:$0x3FFE];
	_ =	sdelay $0x1  }
0x8a: {  	s1 =	srdreg.scid  }
0x8b: {  	s0 =	sand.u32 $0x1, s1  }
0x8c: {  	s17 =	sshll.u32 s0, $0xA;
	s2 =	sadd.s32 s3, s2  }
0x8d: {  	s2 =	sadd.s32 s2, s17  }
0x8e: {  	[smem:$0x3FC6] =	sst s2  }
0x8f: {  	_ = 	snop  }
0x90: {  	s2 =	sld [smem:$0x3FC9]  }
0x91: {  	s18 =	sld [smem:$0x3FD0];
	(tm) =	ssettm $0x1  }
0x92: {  	s4 =	sld [smem:$0x3FFB];
	_ =	sdelay $0x3  }
0x93: {  	_ =	strace s4  }
0x94: {  	s4 =	sld [smem:$0x3FFC];
	_ =	sdelay $0x3  }
0x95: {  	_ =	strace s4  }
0x96: {  	s4 =	sld [smem:$0x3FFD];
	_ =	sdelay $0x3  }
0x97: {  	_ =	strace s4  }
0x98: {  	_ =	strace $0x8FFFFFFF  }
0x99: {  	s19 =	sld [smem:$0x3FDB];
	_ =	sdelay $0x1  }
0x9a: {  	s5 =	simm.s32 $_scs_section_size  }
0x9b: {  	s6 =	simm.s32 $_size__tile_overlayer_lowered;
	s7 =	simm.s32 $_tile_overlayer_lowered  }
0x9c: {  	s22 =	simm.s32 $0x1BFF;
	s21 =	sshll.u32 s7, $0x1;
	s4 =	sadd.s32 s5, s19  }
0x9d: {  	s8 =	simm.s32 $0x0;
	s20 =	sshll.u32 s6, $0x1;
	s6 =	sadd.s32 s21, s4  }
0x9e: {  	[timem:s8], [sflag:s22] =	dma.local [hbm:s6], s20  }
0x9f: {  	_ =	swait.ge [sflag:s22], s20  }
0xa0: {  	s5 =	ssub.s32 $0x0, s20;
	[sflag:s22] =	ssyncset.done $0x0  }
0xa1: {  	[sflag:s22] =	ssyncadd.s32 s5;
	_ =	sdelay $0x1  }
0xa2: {  	s23 =	simm.s32 $0x1B8B  }
0xa3: {  	_ =	swait.ge [sflag:s23], $0x1  }
0xa4: {  	[sflag:s23] =	ssyncset.done $0x0  }
0xa5: {  	s25 =	simm.s32 $0x1B8E;
	s24 =	sld [smem:$0x3FFE];
	[sflag:s23] =	ssyncadd.s32 $0xFFFFFFFF  }
0xa6: {  	s26 =	simm.s32 $execute0_lowered;
	[smem:$0x3FD2] =	sst s25  }
0xa7: {  	s6 =	sshll.u32 s26, $0x1;
	_ =	strace $0x80000046;
	[dreg:$0x1] =	wrdreg $0xFFFFFFFF  }
0xa8: {  	s28 =	simm.s32 $_size_execute0_lowered;
	s4 =	sadd.s32 s4, s6;
	[dreg:$0x0] =	wrdreg $0x0  }
0xa9: {  	s6 =	sshll.u32 s28, $0x1;
	[dreg:$0x2] =	wrdreg s4  }
0xaa: {  	[dreg:$0x3] =	wrdreg s6  }
0xab: {  	[dreg:$0x4] =	wrdreg $0xC0  }
0xac: {  	_ =	task [dreg:s8], $0x5FFFF  }
0xad: {  	[dreg:$0x1] =	wrdreg $0xFFFFFFFF  }
0xae: {  	[dreg:$0x0] =	wrdreg $0x60  }
0xaf: {  	[dreg:$0x2] =	wrdreg s2  }
0xb0: {  	[dreg:$0x3] =	wrdreg s24  }
0xb1: {  	[dreg:$0x4] =	wrdreg s18  }
0xb2: {  	[dreg:$0x5] =	wrdreg $0x9  }
0xb3: {  	_ =	task.clear_ibuf [dreg:s8], $0x6FFFF;
	_ =	strace $0x90000046  }
0xb4: {  	s29 =	simm.s32 $0x9;
	_ =	strace $0x80000048  }
0xb5: {  	_ =	swait.ge [sflag:s29], $0x1  }
0xb6: {  	[sflag:s29] =	ssyncadd.s32 $0xFFFFFFFF  }
0xb7: {  	_ =	strace $0x90000048  }
0xb8: {  	_ =	sfence  }
0xb9: {  	s30 =	sld [smem:$0x0];
	_ =	sdelay $0x2  }
0xba: {  	s31 =	sshll.u32 s1, $0xD;
	s1 =	sshrl.u32 s1, $0x2  }
0xbb: {  	s3 =	sand.u32 $0x4000, s31;
	s1 =	sadd.s32 s1, s30  }
0xbc: {  	s0 =	sor.u32 s3, s0;
	s1 =	sshll.u32 s1, $0x11  }
0xbd: {  	s0 =	sor.u32 s1, s0  }
0xbe: {  	s0 =	sadd.s32 $0x8F2B, s0  }
0xbf: {  	[sflag:s0] =	ssyncadd.remote.s32 $0x1  }
0xc0: {  	_ =	sfence.sel $0xFFFF  }
0xc1: {  	[dreg:$0x0] =	wrdreg $0xFFFFFFFF;
	(pc) =	sbr.abs _section_cstart, $3  }
0xc2: {  	[dreg:$0x1] =	wrdreg $0xFFFFFFFF  }
0xc3: {  	_ =	task.clear_ibuf [dreg:s8], $0x2FFFF;
	_ =	strace $0x9FFFFFFF  }
0xc4: {  	(tm) =	ssettm $0x7FFFFFFF  }
0xc5: {  	_ =	shalt  }
tec
execute0_lowered:
.L_overlay_start_1:
0x0: {  	(tag) =	ssettag $0x1  }
0x1: {  	s4 =	rddreg [dreg:$0x0]  }
0x2: {  	s3 =	rddreg [dreg:$0x1]  }
0x3: {  	s5 =	rddreg [dreg:$0x2]  }
0x4: {  	s0 =	rddreg [dreg:$0x3]  }
0x5: {  	s2 =	simm.s32 $0x0;
	s6 =	srdreg.scid;
	s1 =	stileid.u32  }
0x6: {  	s10 =	simm.s32 $0x400;
	s11 =	simm.s32 $0x280;
	s12 =	simm.s32 $0x4400  }
0x7: {  	s13 =	simm.s32 $0x300;
	s14 =	simm.s32 $0x8400;
	s15 =	simm.s32 $0x380  }
0x8: {  	s16 =	simm.s32 $0xC400;
	s17 =	simm.s32 $0x1;
	s18 =	simm.s32 $0x10400  }
0x9: {  	s19 =	simm.s32 $0x0;
	[smem:$0x7FF] =	sst s2;
	s6 =	sand.u32 $0x1, s6  }
0xa: {  	s7 =	sshll.u32 s1, $0x1;
	s3 =	sadd.s32 $0xF42800, s3;
	s8 =	ssub.s32 $0x2, s6  }
0xb: {  	_ =	strace $0x80000047;
	s6 =	sor.u32 s6, s7;
	s31 =	sshrl.u32 s8, $0x1  }
0xc: {  	s9 =	sshll.u32 s6, $0x6;
	s6 =	sshll.u32 s6, $0xC;
	s7 =	ssub.s32 s8, s31  }
0xd: {  	s4 =	sadd.s32 s4, s9;
	s5 =	sadd.s32 s5, s6;
	s8 =	simm.s32 $0x80  }
0xe: {  	s9 =	simm.s32 $0x200;
	s6 =	smax.u32 s7, $0x1;
	s7 =	simm.s32 $0x2  }
.LBB2_1:
0xf: {  	[tilespmem:s2], [sflag:$0x2] =	stream.linear.gather [hbm4b:s4+s2], $0x200, $0x38;
	[tilespmem:$0x18400] =	vst v63  }
0x10: {  	_ =	swait.ge [sflag:s7], $0x200  }
0x11: {  	[sflag:s7] =	ssyncset.done $0x0  }
0x12: {  	[sflag:s7] =	ssyncadd.s32 $0xFFFFFE00  }
0x13: {  	v0 =	vld [tilespmem:$0x0]  }
0x14: {  	v1 =	vld [tilespmem:$0x10]  }
0x15: {  	v2 =	vld [tilespmem:$0x20]  }
0x16: {  	v3 =	vld [tilespmem:$0x30]  }
0x17: {  	v4 =	vld [tilespmem:$0x40]  }
0x18: {  	v5 =	vld [tilespmem:$0x50];
	v0 =	vshra.s32 v0, $0x1  }
0x19: {  	v8 =	vld [tilespmem:$0x60];
	v7 =	vshra.s32 v1, $0x1;
	[tilespmem:$0x200] =	vst v0  }
0x1a: {  	v10 =	vld [tilespmem:$0x70];
	v9 =	vshra.s32 v2, $0x1;
	[tilespmem:$0x210] =	vst v7  }
0x1b: {  	v12 =	vld [tilespmem:$0x80];
	v11 =	vshra.s32 v3, $0x1;
	[tilespmem:$0x220] =	vst v9  }
0x1c: {  	v14 =	vld [tilespmem:$0x90];
	v13 =	vshra.s32 v4, $0x1;
	[tilespmem:$0x230] =	vst v11  }
0x1d: {  	v16 =	vld [tilespmem:$0xA0];
	v15 =	vshra.s32 v5, $0x1;
	[tilespmem:$0x240] =	vst v13  }
0x1e: {  	v18 =	vld [tilespmem:$0xB0];
	v17 =	vshra.s32 v8, $0x1;
	[tilespmem:$0x250] =	vst v15  }
0x1f: {  	v20 =	vld [tilespmem:$0xC0];
	v19 =	vshra.s32 v10, $0x1;
	[tilespmem:$0x260] =	vst v17  }
0x20: {  	v22 =	vld [tilespmem:$0xD0];
	v21 =	vshra.s32 v12, $0x1;
	[tilespmem:$0x270] =	vst v19  }
0x21: {  	v24 =	vld [tilespmem:$0xE0];
	v23 =	vshra.s32 v14, $0x1;
	[tilespmem:$0x280] =	vst v21  }
0x22: {  	v26 =	vld [tilespmem:$0xF0];
	v25 =	vshra.s32 v16, $0x1;
	[tilespmem:$0x290] =	vst v23  }
0x23: {  	v28 =	vld [tilespmem:$0x100];
	v27 =	vshra.s32 v18, $0x1;
	[tilespmem:$0x2A0] =	vst v25  }
0x24: {  	v30 =	vld [tilespmem:$0x110];
	v29 =	vshra.s32 v20, $0x1;
	[tilespmem:$0x2B0] =	vst v27  }
0x25: {  	v32 =	vld [tilespmem:$0x120];
	v31 =	vshra.s32 v22, $0x1;
	[tilespmem:$0x2C0] =	vst v29  }
0x26: {  	v34 =	vld [tilespmem:$0x130];
	v33 =	vshra.s32 v24, $0x1;
	[tilespmem:$0x2D0] =	vst v31  }
0x27: {  	v36 =	vld [tilespmem:$0x140];
	v35 =	vshra.s32 v26, $0x1;
	[tilespmem:$0x2E0] =	vst v33  }
0x28: {  	v38 =	vld [tilespmem:$0x150];
	v37 =	vshra.s32 v28, $0x1;
	[tilespmem:$0x2F0] =	vst v35  }
0x29: {  	v40 =	vld [tilespmem:$0x160];
	v39 =	vshra.s32 v30, $0x1;
	[tilespmem:$0x300] =	vst v37  }
0x2a: {  	v42 =	vld [tilespmem:$0x170];
	v41 =	vshra.s32 v32, $0x1;
	[tilespmem:$0x310] =	vst v39  }
0x2b: {  	v44 =	vld [tilespmem:$0x180];
	v43 =	vshra.s32 v34, $0x1;
	[tilespmem:$0x320] =	vst v41  }
0x2c: {  	v46 =	vld [tilespmem:$0x190];
	v45 =	vshra.s32 v36, $0x1;
	[tilespmem:$0x330] =	vst v43  }
0x2d: {  	v48 =	vld [tilespmem:$0x1A0];
	v47 =	vshra.s32 v38, $0x1;
	[tilespmem:$0x340] =	vst v45  }
0x2e: {  	v50 =	vld [tilespmem:$0x1B0];
	v49 =	vshra.s32 v40, $0x1;
	[tilespmem:$0x350] =	vst v47  }
0x2f: {  	v52 =	vld [tilespmem:$0x1C0];
	v51 =	vshra.s32 v42, $0x1;
	[tilespmem:$0x360] =	vst v49  }
0x30: {  	v54 =	vld [tilespmem:$0x1D0];
	v53 =	vshra.s32 v44, $0x1;
	[tilespmem:$0x370] =	vst v51  }
0x31: {  	v56 =	vld [tilespmem:$0x1E0];
	v55 =	vshra.s32 v46, $0x1;
	[tilespmem:$0x380] =	vst v53  }
0x32: {  	v58 =	vld [tilespmem:$0x1F0];
	v57 =	vshra.s32 v48, $0x1;
	[tilespmem:$0x390] =	vst v55  }
0x33: {  	v59 =	vshra.s32 v50, $0x1;
	[tilespmem:$0x3A0] =	vst v57  }
0x34: {  	v60 =	vshra.s32 v52, $0x1;
	[tilespmem:$0x3B0] =	vst v59  }
0x35: {  	v61 =	vshra.s32 v54, $0x1;
	[tilespmem:$0x3C0] =	vst v60  }
0x36: {  	v62 =	vshra.s32 v56, $0x1;
	[tilespmem:$0x3D0] =	vst v61  }
0x37: {  	v63 =	vshra.s32 v58, $0x1;
	[tilespmem:$0x3E0] =	vst v62  }
0x38: {  	[tilespmem:$0x3F0] =	vst v63  }
0x39: {  	[tilespmem:s10], [sflag:$0x1] =	stream.indirect.gather [hbm4b:s3+s8], $0x80, s9, s8, $0xb8;
	[tilespmem:$0x18400] =	vst v63  }
0x3a: {  	_ = 	snop  }
0x3b: {  	[tilespmem:s12], [sflag:$0x1] =	stream.indirect.gather [hbm4b:s3+s8], $0x80, s11, s8, $0xb8;
	[tilespmem:$0x18400] =	vst v63  }
0x3c: {  	_ = 	snop  }
0x3d: {  	[tilespmem:s14], [sflag:$0x1] =	stream.indirect.gather [hbm4b:s3+s8], $0x80, s13, s8, $0xb8;
	[tilespmem:$0x18400] =	vst v63  }
0x3e: {  	_ = 	snop  }
0x3f: {  	[tilespmem:s16], [sflag:$0x1] =	stream.indirect.gather [hbm4b:s3+s8], $0x80, s15, s8, $0xb8;
	[tilespmem:$0x18400] =	vst v63  }
0x40: {  	_ =	swait.ge [sflag:s17], $0x4000  }
0x41: {  	[sflag:s17] =	ssyncset.done $0x0  }
0x42: {  	[sflag:s17] =	ssyncadd.s32 $0xFFFFC000  }
0x43: {  	_ =	swait.ge [sflag:s17], $0x4000  }
0x44: {  	[sflag:s17] =	ssyncset.done $0x0  }
0x45: {  	[sflag:s17] =	ssyncadd.s32 $0xFFFFC000  }
0x46: {  	_ =	swait.ge [sflag:s17], $0x4000  }
0x47: {  	[sflag:s17] =	ssyncset.done $0x0  }
0x48: {  	[sflag:s17] =	ssyncadd.s32 $0xFFFFC000  }
0x49: {  	_ =	swait.ge [sflag:s17], $0x4000  }
0x4a: {  	s20 =	simm.s32 $0x3C0;
	s21 =	simm.s32 $0x10600;
	[sflag:s17] =	ssyncset.done $0x0  }
0x4b: {  	s22 =	simm.s32 $0x0;
	s23 =	simm.s32 $0x0;
	[sflag:s17] =	ssyncadd.s32 $0xFFFFC000  }
.LBB2_2:
0x4c: {  	v0 =	vld [tilespmem:s22+$0x0];
	_ =	sdelay $0x4  }
0x4d: {  	v0 =	vand.u32 $0x1, v0  }
0x4e: {  	s24 =	sshra.s32 s23, $0x2;
	v0 =	vshll.u32 v0, $0x6  }
0x4f: {  	v0 =	vadd.s32 s24, v0  }
0x50: {  	(v2sf) =	vpush v0, $0x0;
	_ =	sdelay $0xe  }
0x51: {  	s29 =	spop (v2sf)  }
0x52: {  	v1 =	vld [tilespmem:s29+$0x400];
	_ =	sdelay $0x4  }
0x53: {  	[tilespmem:s21+$0xFFFFFE00] =	vst v1  }
0x54: {  	v1 =	vld [tilespmem:s29+$0x410];
	_ =	sdelay $0x1  }
0x55: {  	(v2sf) =	vpush v0, $0x1;
	_ =	sdelay $0x2  }
0x56: {  	[tilespmem:s21+$0xFFFFFE10] =	vst v1  }
0x57: {  	v1 =	vld [tilespmem:s29+$0x420];
	_ =	sdelay $0x4  }
0x58: {  	[tilespmem:s21+$0xFFFFFE20] =	vst v1  }
0x59: {  	v1 =	vld [tilespmem:s29+$0x430];
	_ =	sdelay $0x4  }
0x5a: {  	s30 =	spop (v2sf);
	[tilespmem:s21+$0xFFFFFE30] =	vst v1  }
0x5b: {  	v1 =	vld [tilespmem:s30+$0x480];
	_ =	sdelay $0x4  }
0x5c: {  	[tilespmem:s21+$0xFFFFFE40] =	vst v1  }
0x5d: {  	v1 =	vld [tilespmem:s30+$0x490];
	_ =	sdelay $0x1  }
0x5e: {  	(v2sf) =	vpush v0, $0x2  }
0x5f: {  	s25 =	sadd.s32 $0xFFFFFC80, s20  }
0x60: {  	s26 =	sor.u32 $0x50, s25  }
0x61: {  	[tilespmem:s26+$0x10400] =	vst v1  }
0x62: {  	v1 =	vld [tilespmem:s30+$0x4A0];
	_ =	sdelay $0x3  }
0x63: {  	s31 =	sor.u32 $0x60, s25  }
0x64: {  	[tilespmem:s31+$0x10400] =	vst v1  }
0x65: {  	v1 =	vld [tilespmem:s30+$0x4B0];
	_ =	sdelay $0x3  }
0x66: {  	s25 =	sor.u32 $0x70, s25  }
0x67: {  	s26 =	spop (v2sf);
	[tilespmem:s25+$0x10400] =	vst v1  }
0x68: {  	v1 =	vld [tilespmem:s26+$0x500];
	_ =	sdelay $0x4  }
0x69: {  	[tilespmem:s21+$0xFFFFFE80] =	vst v1  }
0x6a: {  	v1 =	vld [tilespmem:s26+$0x510];
	_ =	sdelay $0x1  }
0x6b: {  	(v2sf) =	vpush v0, $0x3;
	_ =	sdelay $0x2  }
0x6c: {  	[tilespmem:s21+$0xFFFFFE90] =	vst v1  }
0x6d: {  	v1 =	vld [tilespmem:s26+$0x520];
	_ =	sdelay $0x4  }
0x6e: {  	[tilespmem:s21+$0xFFFFFEA0] =	vst v1  }
0x6f: {  	v1 =	vld [tilespmem:s26+$0x530];
	_ =	sdelay $0x4  }
0x70: {  	s28 =	spop (v2sf);
	[tilespmem:s21+$0xFFFFFEB0] =	vst v1  }
0x71: {  	v1 =	vld [tilespmem:s28+$0x580];
	_ =	sdelay $0x4  }
0x72: {  	[tilespmem:s21+$0xFFFFFEC0] =	vst v1  }
0x73: {  	v1 =	vld [tilespmem:s28+$0x590];
	_ =	sdelay $0x1  }
0x74: {  	(v2sf) =	vpush v0, $0x4  }
0x75: {  	s29 =	sadd.s32 $0xFFFFFD00, s20  }
0x76: {  	s30 =	sor.u32 $0x50, s29  }
0x77: {  	[tilespmem:s30+$0x10400] =	vst v1  }
0x78: {  	v1 =	vld [tilespmem:s28+$0x5A0];
	_ =	sdelay $0x3  }
0x79: {  	s31 =	sor.u32 $0x60, s29  }
0x7a: {  	[tilespmem:s31+$0x10400] =	vst v1  }
0x7b: {  	v1 =	vld [tilespmem:s28+$0x5B0];
	_ =	sdelay $0x3  }
0x7c: {  	s25 =	sor.u32 $0x70, s29  }
0x7d: {  	s26 =	spop (v2sf);
	[tilespmem:s25+$0x10400] =	vst v1  }
0x7e: {  	v1 =	vld [tilespmem:s26+$0x600];
	_ =	sdelay $0x4  }
0x7f: {  	[tilespmem:s21+$0xFFFFFF00] =	vst v1  }
0x80: {  	v1 =	vld [tilespmem:s26+$0x610];
	_ =	sdelay $0x1  }
0x81: {  	(v2sf) =	vpush v0, $0x5;
	_ =	sdelay $0x2  }
0x82: {  	[tilespmem:s21+$0xFFFFFF10] =	vst v1  }
0x83: {  	v1 =	vld [tilespmem:s26+$0x620];
	_ =	sdelay $0x4  }
0x84: {  	[tilespmem:s21+$0xFFFFFF20] =	vst v1  }
0x85: {  	v1 =	vld [tilespmem:s26+$0x630];
	_ =	sdelay $0x4  }
0x86: {  	s28 =	spop (v2sf);
	[tilespmem:s21+$0xFFFFFF30] =	vst v1  }
0x87: {  	v1 =	vld [tilespmem:s28+$0x680];
	_ =	sdelay $0x4  }
0x88: {  	[tilespmem:s21+$0xFFFFFF40] =	vst v1  }
0x89: {  	v1 =	vld [tilespmem:s28+$0x690];
	_ =	sdelay $0x1  }
0x8a: {  	(v2sf) =	vpush v0, $0x6  }
0x8b: {  	s29 =	sadd.s32 $0xFFFFFD80, s20  }
0x8c: {  	s30 =	sor.u32 $0x50, s29  }
0x8d: {  	[tilespmem:s30+$0x10400] =	vst v1  }
0x8e: {  	v1 =	vld [tilespmem:s28+$0x6A0];
	_ =	sdelay $0x3  }
0x8f: {  	s31 =	sor.u32 $0x60, s29  }
0x90: {  	[tilespmem:s31+$0x10400] =	vst v1  }
0x91: {  	v1 =	vld [tilespmem:s28+$0x6B0];
	_ =	sdelay $0x3  }
0x92: {  	s25 =	sor.u32 $0x70, s29  }
0x93: {  	s26 =	spop (v2sf);
	[tilespmem:s25+$0x10400] =	vst v1  }
0x94: {  	v1 =	vld [tilespmem:s26+$0x700];
	_ =	sdelay $0x4  }
0x95: {  	[tilespmem:s21+$0xFFFFFF80] =	vst v1  }
0x96: {  	v1 =	vld [tilespmem:s26+$0x710];
	_ =	sdelay $0x1  }
0x97: {  	(v2sf) =	vpush v0, $0x7;
	_ =	sdelay $0x2  }
0x98: {  	[tilespmem:s21+$0xFFFFFF90] =	vst v1  }
0x99: {  	v1 =	vld [tilespmem:s26+$0x720];
	_ =	sdelay $0x4  }
0x9a: {  	[tilespmem:s21+$0xFFFFFFA0] =	vst v1  }
0x9b: {  	v1 =	vld [tilespmem:s26+$0x730];
	_ =	sdelay $0x4  }
0x9c: {  	s28 =	spop (v2sf);
	[tilespmem:s21+$0xFFFFFFB0] =	vst v1  }
0x9d: {  	v1 =	vld [tilespmem:s28+$0x780];
	_ =	sdelay $0x4  }
0x9e: {  	[tilespmem:s21+$0xFFFFFFC0] =	vst v1  }
0x9f: {  	v1 =	vld [tilespmem:s28+$0x790];
	_ =	sdelay $0x1  }
0xa0: {  	(v2sf) =	vpush v0, $0x8  }
0xa1: {  	s29 =	sadd.s32 $0xFFFFFE00, s20  }
0xa2: {  	s30 =	sor.u32 $0x50, s29  }
0xa3: {  	[tilespmem:s30+$0x10400] =	vst v1  }
0xa4: {  	v1 =	vld [tilespmem:s28+$0x7A0];
	_ =	sdelay $0x3  }
0xa5: {  	s31 =	sor.u32 $0x60, s29  }
0xa6: {  	[tilespmem:s31+$0x10400] =	vst v1  }
0xa7: {  	v1 =	vld [tilespmem:s28+$0x7B0];
	_ =	sdelay $0x3  }
0xa8: {  	s25 =	sor.u32 $0x70, s29  }
0xa9: {  	s26 =	spop (v2sf);
	[tilespmem:s25+$0x10400] =	vst v1  }
0xaa: {  	v1 =	vld [tilespmem:s26+$0x800];
	_ =	sdelay $0x4  }
0xab: {  	[tilespmem:s21+$0x0] =	vst v1  }
0xac: {  	v1 =	vld [tilespmem:s26+$0x810];
	_ =	sdelay $0x1  }
0xad: {  	(v2sf) =	vpush v0, $0x9;
	_ =	sdelay $0x2  }
0xae: {  	[tilespmem:s21+$0x10] =	vst v1  }
0xaf: {  	v1 =	vld [tilespmem:s26+$0x820];
	_ =	sdelay $0x4  }
0xb0: {  	[tilespmem:s21+$0x20] =	vst v1  }
0xb1: {  	v1 =	vld [tilespmem:s26+$0x830];
	_ =	sdelay $0x4  }
0xb2: {  	s28 =	spop (v2sf);
	[tilespmem:s21+$0x30] =	vst v1  }
0xb3: {  	v1 =	vld [tilespmem:s28+$0x880];
	_ =	sdelay $0x4  }
0xb4: {  	[tilespmem:s21+$0x40] =	vst v1  }
0xb5: {  	v1 =	vld [tilespmem:s28+$0x890];
	_ =	sdelay $0x1  }
0xb6: {  	(v2sf) =	vpush v0, $0xA  }
0xb7: {  	s29 =	sadd.s32 $0xFFFFFE80, s20  }
0xb8: {  	s30 =	sor.u32 $0x50, s29  }
0xb9: {  	[tilespmem:s30+$0x10400] =	vst v1  }
0xba: {  	v1 =	vld [tilespmem:s28+$0x8A0];
	_ =	sdelay $0x3  }
0xbb: {  	s31 =	sor.u32 $0x60, s29  }
0xbc: {  	[tilespmem:s31+$0x10400] =	vst v1  }
0xbd: {  	v1 =	vld [tilespmem:s28+$0x8B0];
	_ =	sdelay $0x3  }
0xbe: {  	s25 =	sor.u32 $0x70, s29  }
0xbf: {  	s26 =	spop (v2sf);
	[tilespmem:s25+$0x10400] =	vst v1  }
0xc0: {  	v1 =	vld [tilespmem:s26+$0x900];
	_ =	sdelay $0x4  }
0xc1: {  	[tilespmem:s21+$0x80] =	vst v1  }
0xc2: {  	v1 =	vld [tilespmem:s26+$0x910];
	_ =	sdelay $0x1  }
0xc3: {  	(v2sf) =	vpush v0, $0xB;
	_ =	sdelay $0x2  }
0xc4: {  	[tilespmem:s21+$0x90] =	vst v1  }
0xc5: {  	v1 =	vld [tilespmem:s26+$0x920];
	_ =	sdelay $0x4  }
0xc6: {  	[tilespmem:s21+$0xA0] =	vst v1  }
0xc7: {  	v1 =	vld [tilespmem:s26+$0x930];
	_ =	sdelay $0x4  }
0xc8: {  	s28 =	spop (v2sf);
	[tilespmem:s21+$0xB0] =	vst v1  }
0xc9: {  	v1 =	vld [tilespmem:s28+$0x980];
	_ =	sdelay $0x4  }
0xca: {  	[tilespmem:s21+$0xC0] =	vst v1  }
0xcb: {  	v1 =	vld [tilespmem:s28+$0x990];
	_ =	sdelay $0x1  }
0xcc: {  	(v2sf) =	vpush v0, $0xC  }
0xcd: {  	s29 =	sadd.s32 $0xFFFFFF00, s20  }
0xce: {  	s30 =	sor.u32 $0x50, s29  }
0xcf: {  	[tilespmem:s30+$0x10400] =	vst v1  }
0xd0: {  	v1 =	vld [tilespmem:s28+$0x9A0];
	_ =	sdelay $0x3  }
0xd1: {  	s31 =	sor.u32 $0x60, s29  }
0xd2: {  	[tilespmem:s31+$0x10400] =	vst v1  }
0xd3: {  	v1 =	vld [tilespmem:s28+$0x9B0];
	_ =	sdelay $0x3  }
0xd4: {  	s25 =	sor.u32 $0x70, s29  }
0xd5: {  	s26 =	spop (v2sf);
	[tilespmem:s25+$0x10400] =	vst v1  }
0xd6: {  	v1 =	vld [tilespmem:s26+$0xA00];
	_ =	sdelay $0x4  }
0xd7: {  	[tilespmem:s21+$0x100] =	vst v1  }
0xd8: {  	v1 =	vld [tilespmem:s26+$0xA10];
	_ =	sdelay $0x1  }
0xd9: {  	(v2sf) =	vpush v0, $0xD;
	_ =	sdelay $0x2  }
0xda: {  	[tilespmem:s21+$0x110] =	vst v1  }
0xdb: {  	v1 =	vld [tilespmem:s26+$0xA20];
	_ =	sdelay $0x4  }
0xdc: {  	[tilespmem:s21+$0x120] =	vst v1  }
0xdd: {  	v1 =	vld [tilespmem:s26+$0xA30];
	_ =	sdelay $0x4  }
0xde: {  	s28 =	spop (v2sf);
	[tilespmem:s21+$0x130] =	vst v1  }
0xdf: {  	v1 =	vld [tilespmem:s28+$0xA80];
	_ =	sdelay $0x4  }
0xe0: {  	[tilespmem:s21+$0x140] =	vst v1  }
0xe1: {  	v1 =	vld [tilespmem:s28+$0xA90];
	_ =	sdelay $0x1  }
0xe2: {  	(v2sf) =	vpush v0, $0xE  }
0xe3: {  	s29 =	sadd.s32 $0xFFFFFF80, s20  }
0xe4: {  	s30 =	sor.u32 $0x50, s29  }
0xe5: {  	[tilespmem:s30+$0x10400] =	vst v1  }
0xe6: {  	v1 =	vld [tilespmem:s28+$0xAA0];
	_ =	sdelay $0x3  }
0xe7: {  	s31 =	sor.u32 $0x60, s29  }
0xe8: {  	[tilespmem:s31+$0x10400] =	vst v1  }
0xe9: {  	v1 =	vld [tilespmem:s28+$0xAB0];
	_ =	sdelay $0x3  }
0xea: {  	s25 =	sor.u32 $0x70, s29  }
0xeb: {  	s26 =	spop (v2sf);
	[tilespmem:s25+$0x10400] =	vst v1  }
0xec: {  	v1 =	vld [tilespmem:s26+$0xB00];
	_ =	sdelay $0x4  }
0xed: {  	[tilespmem:s21+$0x180] =	vst v1  }
0xee: {  	v1 =	vld [tilespmem:s26+$0xB10];
	_ =	sdelay $0x1  }
0xef: {  	(v2sf) =	vpush v0, $0xF;
	_ =	sdelay $0x2  }
0xf0: {  	[tilespmem:s21+$0x190] =	vst v1  }
0xf1: {  	v63 =	vld [tilespmem:s26+$0xB20];
	_ =	sdelay $0x4  }
0xf2: {  	[tilespmem:s21+$0x1A0] =	vst v63  }
0xf3: {  	v0 =	vld [tilespmem:s26+$0xB30];
	_ =	sdelay $0x4  }
0xf4: {  	s28 =	spop (v2sf);
	[tilespmem:s21+$0x1B0] =	vst v0  }
0xf5: {  	v0 =	vld [tilespmem:s28+$0xB80];
	_ =	sdelay $0x4  }
0xf6: {  	[tilespmem:s21+$0x1C0] =	vst v0  }
0xf7: {  	v0 =	vld [tilespmem:s28+$0xB90];
	_ =	sdelay $0x3  }
0xf8: {  	s29 =	sor.u32 $0x50, s20  }
0xf9: {  	[tilespmem:s29+$0x10400] =	vst v0  }
0xfa: {  	v0 =	vld [tilespmem:s28+$0xBA0];
	_ =	sdelay $0x3  }
0xfb: {  	s30 =	sor.u32 $0x60, s20  }
0xfc: {  	[tilespmem:s30+$0x10400] =	vst v0  }
0xfd: {  	p0 =	sne.s32 s23, $0x3E000;
	v0 =	vld [tilespmem:s28+$0xBB0]  }
.Ltmp0:
0xfe: {  	_ = 	snop;
	(pc) =	sbr.rel @p0 .LBB2_2-.Ltmp0, $3  }
0xff: {  	_ =	sdelay $0x1  }
0x100: {  	s22 =	sadd.s32 $0x10, s22;
	s31 =	sor.u32 $0x70, s20  }
0x101: {  	s23 =	sadd.s32 $0x2000, s23;
	s20 =	sadd.s32 $0x400, s20;
	s21 =	sadd.s32 $0x400, s21;
	[tilespmem:s31+$0x10400] =	vst v0  }
0x102: {  	s19 =	sadd.s32 $0x1, s19  }
0x103: {  	p0 =	sne.s32 s19, s6  }
.Ltmp1:
0x104: {  	_ = 	snop;
	(pc) =	sbr.rel @p0 .LBB2_1-.Ltmp1, $4  }
0x105: {  	[hbm4b:s5+s2] =	stream.linear.scatter [tilespmem:s18], [sflag:$0x2], $0x8000, $0x38;
	[tilespmem:$0x18400] =	vst v63  }
0x106: {  	_ =	swait.ge [sflag:s7], $0x8000  }
0x107: {  	[sflag:s7] =	ssyncset.done $0x0  }
0x108: {  	[sflag:s7] =	ssyncadd.s32 $0xFFFF8000  }
0x109: {  	_ =	sfence.sel $0x180000  }
0x10a: {  	[bflag:$0x0] =	sbarrier.arrive $0xFFFF  }
0x10b: {  	p0 =	sne.s32 s1, $0x0;
	_ =	strace $0x90000047  }
0x10c: {  	s0 =	sadd.s32 @!p0 $0x100000, s0;
	[bflag:$0x2] =	sbarrier.arrive $0xFFFF  }
0x10d: {  	[sflag:s0] =	ssyncadd.tile.s32 @!p0 $0x1;
	_ =	shalt  }
.Lfunc_end2:
_tile_overlayer_lowered:
.L_overlay_start_2:
0x10e: {  	(tag) =	ssettag $0x2  }
0x10f: {  	s0 =	rddreg [dreg:$0x0];
	s2 =	stileid.u32  }
0x110: {  	s1 =	rddreg [dreg:$0x1];
	p0 =	sne.s32 s2, $0x0  }
0x111: {  	s3 =	rddreg [dreg:$0x2];
	[bflag:$0x3] =	sbarrier.arrive $0xFFFF;
	s2 =	simm.s32 @!p0 $0x1C02  }
0x112: {  	[timem:s3], [sflag:s2] =	dma.local @!p0 [hbm:s0], s1  }
0x113: {  	s0 =	simm.s32 @!p0 $0x2  }
0x114: {  	_ =	swait.ge @!p0 [sflag:s0], s1  }
0x115: {  	s1 =	ssub.s32 @!p0 $0x0, s1;
	[sflag:s0] =	ssyncset.done @!p0 $0x0  }
0x116: {  	[sflag:s0] =	ssyncadd.s32 @!p0 s1  }
0x117: {  	[bflag:$0x3] =	sbarrier.arrive $0xFFFF  }
0x118: {  	_ =	shalt  }

</sc_bundles>
